<compile_context>
chip_gen: v7x
topology: tpu7x:2x2x1
jax: 0.10.2.dev20260603
libtpu: 0.0.44.dev20260713+nightly
codegen_flags: <defaults>
</compile_context>

<pallas_src>
import functools

import jax
import jax.numpy as jnp
from jax import lax
from jax.experimental import pallas as pl
from jax.experimental.pallas import tpu as pltpu
from jax.experimental.pallas import tpu_sc as plsc

N_NODES = 10000
N_EDGES = 160000
D = 256
B = 1024
NB = 2 * B
MAPN = 10368
NC, NS = 2, 16
NW = NC * NS
E_PER_W = N_EDGES // NW
GROUPS = (E_PER_W + 15) // 16
AGG_ROWS = 2112
FIRE = 96
HITCAP = E_PER_W + FIRE + 16
TRASH = 2048
NB_PER_W = NB // NW

_i32 = jnp.int32
_f32 = jnp.float32

_MESH = plsc.VectorSubcoreMesh(core_axis_name="c", subcore_axis_name="s")
_SC_PARAMS = pltpu.CompilerParams(
    needs_layout_passes=False, use_tc_tiling_on_sc=False)


def _edge_body(x_hbm, ei_hbm, n1_hbm, n2_hbm,
               agg_out, deg_out, xb_out, perm_out,
               map_v, nodes_v, src_v, dst_v, hit_slot, hit_src,
               src_fire, slot_fire, src_fire2, slot_fire2,
               rows_v, rows_v2, ones_v, idx_v,
               gsem0, gsem1, ssem0, ssem1, dsem0, dsem1,
               agg_sh, deg_sh):
    cid = lax.axis_index("c")
    sid = lax.axis_index("s")
    wid = cid * NS + sid

    zeros16 = jnp.zeros((16,), _i32)
    dst_v[pl.ds(E_PER_W - 8, 16)] = zeros16
    n1_cp = pltpu.make_async_copy(n1_hbm, nodes_v.at[pl.ds(0, B)], gsem0)
    n2_cp = pltpu.make_async_copy(n2_hbm, nodes_v.at[pl.ds(B, B)], dsem1)
    src_cp = pltpu.make_async_copy(
        ei_hbm.at[0, pl.ds(wid * E_PER_W, E_PER_W)],
        src_v.at[pl.ds(0, E_PER_W)], gsem1)
    dst_cp = pltpu.make_async_copy(
        ei_hbm.at[1, pl.ds(wid * E_PER_W, E_PER_W)],
        dst_v.at[pl.ds(0, E_PER_W)], ssem0)
    n1_cp.start()
    n2_cp.start()
    src_cp.start()
    dst_cp.start()

    neg1 = jnp.full((16,), -1, _i32)

    def _zmap(i, c):
        map_v[pl.ds(i * 16, 16)] = neg1
        return c
    lax.fori_loop(0, MAPN // 16, _zmap, 0)

    zf = jnp.zeros((16,), _f32)

    def _zrows(i, c):
        r = i // 16
        col = (i % 16) * 16
        rows_v[r, pl.ds(col, 16)] = zf
        return c
    lax.fori_loop(0, FIRE * 16, _zrows, 0)

    def _zones(i, c):
        ones_v[i, pl.ds(0, 16)] = zf
        return c
    lax.fori_loop(0, FIRE, _zones, 0)

    n1_cp.wait()
    n2_cp.wait()

    def _scatter(i, c):
        idx = nodes_v[pl.ds(i * 16, 16)]
        val = lax.iota(_i32, 16) + i * 16
        plsc.store_scatter(map_v, [idx], val)
        return c
    lax.fori_loop(0, NB // 16, _scatter, 0)

    @pl.when(wid == 0)
    def _():
        def _gather(i, c):
            idx = nodes_v[pl.ds(i * 16, 16)]
            nodes_v[pl.ds(i * 16, 16)] = plsc.load_gather(map_v, [idx])
            return c
        lax.fori_loop(0, NB // 16, _gather, 0)
        pltpu.sync_copy(nodes_v, perm_out)

    NZ = AGG_ROWS // FIRE
    za = pltpu.make_async_copy(
        rows_v, agg_sh.at[pl.ds(sid * FIRE, FIRE)], ssem1)
    zb = pltpu.make_async_copy(
        ones_v, deg_sh.at[pl.ds(sid * FIRE, FIRE)], dsem0)
    za.start()
    zb.start()

    @pl.when(sid < NZ - NS)
    def _():
        pltpu.make_async_copy(
            rows_v, agg_sh.at[pl.ds((NS + sid) * FIRE, FIRE)], dsem1).start()
        pltpu.make_async_copy(
            ones_v, deg_sh.at[pl.ds((NS + sid) * FIRE, FIRE)], gsem0).start()

    za.wait()
    zb.wait()

    @pl.when(sid < NZ - NS)
    def _():
        pltpu.make_async_copy(
            rows_v, agg_sh.at[pl.ds((NS + sid) * FIRE, FIRE)], dsem1).wait()
        pltpu.make_async_copy(
            ones_v, deg_sh.at[pl.ds((NS + sid) * FIRE, FIRE)], gsem0).wait()

    one0 = jnp.where(lax.iota(_i32, 16) == 0, 1.0, 0.0).astype(_f32)

    def _ones(i, c):
        ones_v[i, pl.ds(0, 16)] = one0
        return c
    lax.fori_loop(0, FIRE, _ones, 0)

    src_cp.wait()
    dst_cp.wait()

    plsc.subcore_barrier()

    @pl.when(wid < NS)
    def _():
        pltpu.sync_copy(n1_hbm.at[pl.ds(wid * NB_PER_W, NB_PER_W)], idx_v)

    @pl.when(wid >= NS)
    def _():
        pltpu.sync_copy(n2_hbm.at[pl.ds((wid - NS) * NB_PER_W, NB_PER_W)],
                        idx_v)
    pltpu.sync_copy(x_hbm.at[plsc.Indices(idx_v)],
                    rows_v.at[pl.ds(0, NB_PER_W)])
    pltpu.sync_copy(rows_v.at[pl.ds(0, NB_PER_W)],
                    xb_out.at[pl.ds(wid * NB_PER_W, NB_PER_W)])

    lanes = lax.iota(_i32, 16)

    def _compact(g, cnt):
        base = g * 16
        dvec = dst_v[pl.ds(base, 16)]
        svec = src_v[pl.ds(base, 16)]
        slots = plsc.load_gather(map_v, [dvec])
        hit = slots >= 0
        plsc.store_compressed(hit_slot.at[pl.ds(cnt, 16)], slots, mask=hit)
        plsc.store_compressed(hit_src.at[pl.ds(cnt, 16)], svec, mask=hit)
        return cnt + plsc.all_reduce_population_count(hit)[0]

    cnt = lax.fori_loop(0, GROUPS - 1, _compact, jnp.int32(0))

    tbase = (GROUPS - 1) * 16
    tslots = plsc.load_gather(map_v, [dst_v[pl.ds(tbase, 16)]])
    thit = (tslots >= 0) & (lanes < E_PER_W - tbase)
    plsc.store_compressed(hit_slot.at[pl.ds(cnt, 16)], tslots, mask=thit)
    plsc.store_compressed(hit_src.at[pl.ds(cnt, 16)],
                          src_v[pl.ds(tbase, 16)], mask=thit)
    cnt = cnt + plsc.all_reduce_population_count(thit)[0]

    trash = jnp.full((16,), TRASH, _i32)
    for j in range(FIRE // 16):
        hit_slot[pl.ds(cnt + j * 16, 16)] = trash
        hit_src[pl.ds(cnt + j * 16, 16)] = zeros16

    n_chunks = (cnt + FIRE - 1) // FIRE
    rows = (rows_v, rows_v2)
    src_f = (src_fire, src_fire2)
    slot_f = (slot_fire, slot_fire2)
    gsem = (gsem0, gsem1)
    ssem = (ssem0, ssem1)
    dsem = (dsem0, dsem1)

    def _ga(p):
        return pltpu.make_async_copy(
            x_hbm.at[plsc.Indices(src_f[p])], rows[p], gsem[p])

    def _sa(p):
        return pltpu.make_async_copy(
            rows[p], agg_sh.at[plsc.Indices(slot_f[p])], ssem[p])

    def _da(p):
        return pltpu.make_async_copy(
            ones_v, deg_sh.at[plsc.Indices(slot_f[p])], dsem[p])

    def _load_idx(p, k):
        base = k * FIRE
        for j in range(FIRE // 16):
            src_f[p][pl.ds(j * 16, 16)] = hit_src[pl.ds(base + j * 16, 16)]
            slot_f[p][pl.ds(j * 16, 16)] = hit_slot[pl.ds(base + j * 16, 16)]

    @pl.when(n_chunks > 0)
    def _():
        _load_idx(0, 0)
        _ga(0).start()
        _da(0).start(add=True)

    def _step(k, p):
        def _one(p):
            q = 1 - p
            _ga(p).wait()
            _sa(p).start(add=True)

            @pl.when(k + 1 < n_chunks)
            def _():
                @pl.when(k >= 1)
                def _():
                    _sa(q).wait()
                    _da(q).wait()
                _load_idx(q, k + 1)
                _ga(q).start()
                _da(q).start(add=True)

        @pl.when(p == 0)
        def _():
            _one(0)

        @pl.when(p == 1)
        def _():
            _one(1)

        return 1 - p

    lax.fori_loop(0, n_chunks, _step, jnp.int32(0))

    last = n_chunks - 1

    @pl.when(n_chunks >= 2)
    def _():
        p = (last - 1) % 2

        @pl.when(p == 0)
        def _():
            _sa(0).wait()
            _da(0).wait()

        @pl.when(p == 1)
        def _():
            _sa(1).wait()
            _da(1).wait()

    @pl.when(n_chunks >= 1)
    def _():
        p = last % 2

        @pl.when(p == 0)
        def _():
            _sa(0).wait()
            _da(0).wait()

        @pl.when(p == 1)
        def _():
            _sa(1).wait()
            _da(1).wait()

    plsc.subcore_barrier()

    RPW = NB // NS
    co_a = pltpu.make_async_copy(agg_sh.at[pl.ds(sid * RPW, RPW)],
                                 agg_out.at[cid, pl.ds(sid * RPW, RPW)],
                                 gsem0)
    co_d = pltpu.make_async_copy(deg_sh.at[pl.ds(sid * RPW, RPW)],
                                 deg_out.at[cid, pl.ds(sid * RPW, RPW)],
                                 gsem1)
    co_a.start()
    co_d.start()
    co_a.wait()
    co_d.wait()


@functools.partial(
    pl.kernel,
    out_type=(
        jax.ShapeDtypeStruct((NC, NB, D), _f32),
        jax.ShapeDtypeStruct((NC, NB, 16), _f32),
        jax.ShapeDtypeStruct((NB, D), _f32),
        jax.ShapeDtypeStruct((NB,), _i32),
    ),
    mesh=_MESH,
    compiler_params=_SC_PARAMS,
    scratch_types=[
        pltpu.VMEM((MAPN,), _i32),
        pltpu.VMEM((NB,), _i32),
        pltpu.VMEM((E_PER_W + 8,), _i32),
        pltpu.VMEM((E_PER_W + 8,), _i32),
        pltpu.VMEM((HITCAP,), _i32),
        pltpu.VMEM((HITCAP,), _i32),
        pltpu.VMEM((FIRE,), _i32),
        pltpu.VMEM((FIRE,), _i32),
        pltpu.VMEM((FIRE,), _i32),
        pltpu.VMEM((FIRE,), _i32),
        pltpu.VMEM((FIRE, D), _f32),
        pltpu.VMEM((FIRE, D), _f32),
        pltpu.VMEM((FIRE, 16), _f32),
        pltpu.VMEM((NB_PER_W,), _i32),
        pltpu.SemaphoreType.DMA,
        pltpu.SemaphoreType.DMA,
        pltpu.SemaphoreType.DMA,
        pltpu.SemaphoreType.DMA,
        pltpu.SemaphoreType.DMA,
        pltpu.SemaphoreType.DMA,
        pltpu.VMEM_SHARED((AGG_ROWS, D), _f32),
        pltpu.VMEM_SHARED((AGG_ROWS, 16), _f32),
    ],
)
def _edge_kernel(*refs):
    _edge_body(*refs)


def _dense_body(xb_ref, agg_ref, deg_ref, ws_ref, wn_ref, h_ref):
    agg = agg_ref[0] + agg_ref[1]
    deg = jnp.sum(deg_ref[0] + deg_ref[1], axis=1, keepdims=True)
    mean = agg / jnp.maximum(deg, 1.0)
    h = jnp.dot(xb_ref[...], ws_ref[...],
                preferred_element_type=_f32)
    h = h + jnp.dot(mean, wn_ref[...],
                    preferred_element_type=_f32)
    h = jnp.maximum(h, 0.0)
    norm = jnp.sqrt(jnp.sum(h * h, axis=1, keepdims=True))
    h_ref[...] = h / jnp.maximum(norm, 1e-12)


def _dense_call(xb, agg, deg, w_self, w_neigh):
    return pl.pallas_call(
        _dense_body,
        out_shape=jax.ShapeDtypeStruct((NB, D), _f32),
    )(xb, agg, deg, w_self, w_neigh)


def _out_body(h_hbm, perm_hbm, e1_out, e2_out, idx_v, rows_v):
    wid = lax.axis_index("c") * NS + lax.axis_index("s")
    pltpu.sync_copy(perm_hbm.at[pl.ds(wid * NB_PER_W, NB_PER_W)], idx_v)
    pltpu.sync_copy(h_hbm.at[plsc.Indices(idx_v)], rows_v)

    @pl.when(wid < NS)
    def _():
        pltpu.sync_copy(rows_v, e1_out.at[pl.ds(wid * NB_PER_W, NB_PER_W)])

    @pl.when(wid >= NS)
    def _():
        pltpu.sync_copy(rows_v,
                        e2_out.at[pl.ds((wid - NS) * NB_PER_W, NB_PER_W)])


@functools.partial(
    pl.kernel,
    out_type=(
        jax.ShapeDtypeStruct((B, D), _f32),
        jax.ShapeDtypeStruct((B, D), _f32),
    ),
    mesh=_MESH,
    compiler_params=_SC_PARAMS,
    scratch_types=[
        pltpu.VMEM((NB_PER_W,), _i32),
        pltpu.VMEM((NB_PER_W, D), _f32),
    ],
)
def _out_kernel(h_hbm, perm_hbm, e1_out, e2_out, idx_v, rows_v):
    _out_body(h_hbm, perm_hbm, e1_out, e2_out, idx_v, rows_v)


def kernel(x, edge_index, nodes1, nodes2, W_self, W_neigh):
    agg, deg, xb, perm = _edge_kernel(x, edge_index, nodes1, nodes2)
    h = _dense_call(xb, agg, deg, W_self, W_neigh)
    e1, e2 = _out_kernel(h, perm)
    return (e1, e2)

# --- scband reference (transcript-rebuilt; emitter-appended) ---
"""Pipeline reference for scband-unsupervised-graph-sage-25993142075895 (READ-ONLY COPY).

The authoritative reference and input builder live on the scoring server;
editing this copy changes nothing except your own understanding.
"""

import jax, jax.numpy as jnp
import numpy as np

N_NODES = 10000
N_EDGES = 160000
D_FEAT = 256
D_OUT = 256
BATCH = 1024


def _xavier(key, shape):
    fan_in, fan_out = shape[0], shape[1]
    limit = float(np.sqrt(6.0 / (fan_in + fan_out)))
    return jax.random.uniform(key, shape, dtype=jnp.float32, minval=-limit, maxval=limit)


def setup_inputs(seed: int = 0) -> dict:
    key = jax.random.key(seed)
    ks = jax.random.split(key, 6)
    x = jax.random.normal(ks[0], (N_NODES, D_FEAT), dtype=jnp.float32)
    edge_index = jax.random.randint(ks[1], (2, N_EDGES), 0, N_NODES, dtype=jnp.int32)
    nodes1 = jax.random.randint(ks[2], (BATCH,), 0, N_NODES, dtype=jnp.int32)
    nodes2 = jax.random.randint(ks[3], (BATCH,), 0, N_NODES, dtype=jnp.int32)
    W_self = _xavier(ks[4], (D_FEAT, D_OUT))
    W_neigh = _xavier(ks[5], (D_FEAT, D_OUT))
    return {"x": x, "edge_index": edge_index, "nodes1": nodes1, "nodes2": nodes2,
            "W_self": W_self, "W_neigh": W_neigh}


def _encode(x, edge_index, W_self, W_neigh):
    # One-layer GraphSAGE mean-aggregator encoder (enc in the torch module).
    src = edge_index[0]
    dst = edge_index[1]
    msg = jnp.take(x, src, axis=0)                                   # gather  [E, d]
    agg = jax.ops.segment_sum(msg, dst, num_segments=N_NODES)        # scatter-add
    deg = jax.ops.segment_sum(jnp.ones((src.shape[0],), jnp.float32), dst,
                              num_segments=N_NODES)
    mean_neigh = agg / jnp.clip(deg, 1.0)[:, None]
    h = jax.nn.relu(x @ W_self + mean_neigh @ W_neigh)
    h = h / jnp.clip(jnp.linalg.norm(h, axis=1, keepdims=True), 1e-12)
    return h


def reference(x, edge_index, nodes1, nodes2, W_self, W_neigh):
    # forward(nodes1, nodes2): embeds1 = enc(nodes1); embeds2 = enc(nodes2)
    h = _encode(x, edge_index, W_self, W_neigh)
    embeds1 = jnp.take(h, nodes1, axis=0)
    embeds2 = jnp.take(h, nodes2, axis=0)
    return (embeds1, embeds2)

if __name__ == "__main__":
    import jax
    _d = setup_inputs()
    print(jax.jit(kernel)(*tuple(_d.values())))

</pallas_src>

<mosaic_0001>
#map = affine_map<(d0, d1) -> (0, 0)>
#map1 = affine_map<(d0, d1) -> (0)>
#map2 = affine_map<(d0, d1) -> (0, 0, 0)>
module attributes {stable_mosaic.version = 14 : i64} {
  func.func @_edge_kernel(%arg0: i32, %arg1: i32, %arg2: memref<10000x256xf32, #tpu.memory_space<hbm>>, %arg3: memref<2x160000xi32, #tpu.memory_space<hbm>>, %arg4: memref<1024xi32, #tpu.memory_space<hbm>>, %arg5: memref<1024xi32, #tpu.memory_space<hbm>>, %arg6: memref<2x2048x256xf32, #tpu.memory_space<hbm>>, %arg7: memref<2x2048x16xf32, #tpu.memory_space<hbm>>, %arg8: memref<2048x256xf32, #tpu.memory_space<hbm>>, %arg9: memref<2048xi32, #tpu.memory_space<hbm>>, %arg10: memref<10368xi32, #tpu.memory_space<vmem>>, %arg11: memref<2048xi32, #tpu.memory_space<vmem>>, %arg12: memref<5008xi32, #tpu.memory_space<vmem>>, %arg13: memref<5008xi32, #tpu.memory_space<vmem>>, %arg14: memref<5112xi32, #tpu.memory_space<vmem>>, %arg15: memref<5112xi32, #tpu.memory_space<vmem>>, %arg16: memref<96xi32, #tpu.memory_space<vmem>>, %arg17: memref<96xi32, #tpu.memory_space<vmem>>, %arg18: memref<96xi32, #tpu.memory_space<vmem>>, %arg19: memref<96xi32, #tpu.memory_space<vmem>>, %arg20: memref<96x256xf32, #tpu.memory_space<vmem>>, %arg21: memref<96x256xf32, #tpu.memory_space<vmem>>, %arg22: memref<96x16xf32, #tpu.memory_space<vmem>>, %arg23: memref<64xi32, #tpu.memory_space<vmem>>, %arg24: memref<!tpu.dma_semaphore, #tpu.memory_space<semaphore_mem>>, %arg25: memref<!tpu.dma_semaphore, #tpu.memory_space<semaphore_mem>>, %arg26: memref<!tpu.dma_semaphore, #tpu.memory_space<semaphore_mem>>, %arg27: memref<!tpu.dma_semaphore, #tpu.memory_space<semaphore_mem>>, %arg28: memref<!tpu.dma_semaphore, #tpu.memory_space<semaphore_mem>>, %arg29: memref<!tpu.dma_semaphore, #tpu.memory_space<semaphore_mem>>, %arg30: memref<2112x256xf32, #tpu.memory_space<vmem_shared>>, %arg31: memref<2112x16xf32, #tpu.memory_space<vmem_shared>>) attributes {dimension_semantics = [#tpu.dimension_semantics<core_parallel>, #tpu.dimension_semantics<subcore_parallel>], iteration_bounds = array<i64: 2, 16>, scalar_prefetch = 0 : i64, scratch_operands = 22 : i64, tpu.core_type = #tpu.core_type<sc_vector_subcore>, window_params = [{transform_indices = #map}, {transform_indices = #map}, {transform_indices = #map1}, {transform_indices = #map1}, {transform_indices = #map2}, {transform_indices = #map2}, {transform_indices = #map}, {transform_indices = #map1}]} {
    %mul3A = arith.constant 16 : i32
    %mul3A_0 = arith.muli %arg0, %mul3A : i32
    %add3A = arith.addi %mul3A_0, %arg1 : i32
    %broadcast_in_dim3A = arith.constant 0 : i32
    %broadcast_in_dim3A_1 = vector.broadcast %broadcast_in_dim3A : i32 to vector<16xi32>
    %swap3A = arith.constant 4992 : index
    %swap3A_2 = tpu.vector_load %arg13[%swap3A] {strides = array<i32>} : memref<5008xi32, #tpu.memory_space<vmem>>, vector<16xi32>,
    tpu.vector_store %arg13[%swap3A], %broadcast_in_dim3A_1 {strides = array<i32>} : memref<5008xi32, #tpu.memory_space<vmem>>, vector<16xi32>,
    %mul3A_3 = arith.constant 5000 : i32
    %mul3A_4 = arith.muli %add3A, %mul3A_3 : i32
    %mul3A_5 = arith.constant 5000 : i32
    %mul3A_6 = arith.muli %add3A, %mul3A_5 : i32
    %dma_start3A = arith.constant 0 : i32
    %dma_start3A_7 = tpu.memref_slice %arg11[%dma_start3A] : memref<2048xi32, #tpu.memory_space<vmem>> -> memref<1024xi32, #tpu.memory_space<vmem>>
    %dma_start3A_8 = arith.constant 0 : i32
    %dma_start3A_9 = tpu.memref_slice %arg11[%dma_start3A_8] : memref<2048xi32, #tpu.memory_space<vmem>> -> memref<1024xi32, #tpu.memory_space<vmem>>
    tpu.enqueue_dma source(%arg4 : memref<1024xi32, #tpu.memory_space<hbm>>) target(%dma_start3A_9 : memref<1024xi32, #tpu.memory_space<vmem>>) target_semaphore(%arg24 : memref<!tpu.dma_semaphore, #tpu.memory_space<semaphore_mem>>)
    %dma_start3A_10 = arith.constant 1024 : i32
    %dma_start3A_11 = tpu.memref_slice %arg11[%dma_start3A_10] : memref<2048xi32, #tpu.memory_space<vmem>> -> memref<1024xi32, #tpu.memory_space<vmem>>
    %dma_start3A_12 = arith.constant 1024 : i32
    %dma_start3A_13 = tpu.memref_slice %arg11[%dma_start3A_12] : memref<2048xi32, #tpu.memory_space<vmem>> -> memref<1024xi32, #tpu.memory_space<vmem>>
    tpu.enqueue_dma source(%arg5 : memref<1024xi32, #tpu.memory_space<hbm>>) target(%dma_start3A_13 : memref<1024xi32, #tpu.memory_space<vmem>>) target_semaphore(%arg29 : memref<!tpu.dma_semaphore, #tpu.memory_space<semaphore_mem>>)
    %dma_start3A_14 = arith.constant 0 : i32
    %dma_start3A_15 = arith.constant 0 : i32
    %dma_start3A_16 = tpu.memref_slice %arg12[%dma_start3A_15] : memref<5008xi32, #tpu.memory_space<vmem>> -> memref<5000xi32, #tpu.memory_space<vmem>>
    %dma_start3A_17 = tpu.memref_slice %arg3[%dma_start3A_14, %mul3A_4] : memref<2x160000xi32, #tpu.memory_space<hbm>> -> memref<1x5000xi32, #tpu.memory_space<hbm>>
    %dma_start3A_18 = tpu.memref_squeeze %dma_start3A_17 : memref<1x5000xi32, #tpu.memory_space<hbm>> -> memref<5000xi32, #tpu.memory_space<hbm>>
    %dma_start3A_19 = arith.constant 0 : i32
    %dma_start3A_20 = tpu.memref_slice %arg12[%dma_start3A_19] : memref<5008xi32, #tpu.memory_space<vmem>> -> memref<5000xi32, #tpu.memory_space<vmem>>
    %dma_start3A_21 = tpu.memref_slice %arg3[%dma_start3A_14, %mul3A_4] : memref<2x160000xi32, #tpu.memory_space<hbm>> -> memref<1x5000xi32, #tpu.memory_space<hbm>>
    %dma_start3A_22 = tpu.memref_squeeze %dma_start3A_21 : memref<1x5000xi32, #tpu.memory_space<hbm>> -> memref<5000xi32, #tpu.memory_space<hbm>>
    tpu.enqueue_dma source(%dma_start3A_22 : memref<5000xi32, #tpu.memory_space<hbm>>) target(%dma_start3A_20 : memref<5000xi32, #tpu.memory_space<vmem>>) target_semaphore(%arg25 : memref<!tpu.dma_semaphore, #tpu.memory_space<semaphore_mem>>)
    %dma_start3A_23 = arith.constant 1 : i32
    %dma_start3A_24 = arith.constant 0 : i32
    %dma_start3A_25 = tpu.memref_slice %arg13[%dma_start3A_24] : memref<5008xi32, #tpu.memory_space<vmem>> -> memref<5000xi32, #tpu.memory_space<vmem>>
    %dma_start3A_26 = tpu.memref_slice %arg3[%dma_start3A_23, %mul3A_6] : memref<2x160000xi32, #tpu.memory_space<hbm>> -> memref<1x5000xi32, #tpu.memory_space<hbm>>
    %dma_start3A_27 = tpu.memref_squeeze %dma_start3A_26 : memref<1x5000xi32, #tpu.memory_space<hbm>> -> memref<5000xi32, #tpu.memory_space<hbm>>
    %dma_start3A_28 = arith.constant 0 : i32
    %dma_start3A_29 = tpu.memref_slice %arg13[%dma_start3A_28] : memref<5008xi32, #tpu.memory_space<vmem>> -> memref<5000xi32, #tpu.memory_space<vmem>>
    %dma_start3A_30 = tpu.memref_slice %arg3[%dma_start3A_23, %mul3A_6] : memref<2x160000xi32, #tpu.memory_space<hbm>> -> memref<1x5000xi32, #tpu.memory_space<hbm>>
    %dma_start3A_31 = tpu.memref_squeeze %dma_start3A_30 : memref<1x5000xi32, #tpu.memory_space<hbm>> -> memref<5000xi32, #tpu.memory_space<hbm>>
    tpu.enqueue_dma source(%dma_start3A_31 : memref<5000xi32, #tpu.memory_space<hbm>>) target(%dma_start3A_29 : memref<5000xi32, #tpu.memory_space<vmem>>) target_semaphore(%arg26 : memref<!tpu.dma_semaphore, #tpu.memory_space<semaphore_mem>>)
    %broadcast_in_dim3A_32 = arith.constant -1 : i32
    %broadcast_in_dim3A_33 = vector.broadcast %broadcast_in_dim3A_32 : i32 to vector<16xi32>
    %scan3A = arith.constant 0 : i32
    %scan3A_34 = arith.constant 0 : i32
    %scan3A_35 = arith.constant 648 : i32
    %scan3A_36 = arith.addi %scan3A_34, %scan3A_35 : i32
    %scan3A_37 = arith.constant 1 : i32
    scf.for %scan3A_289 = %scan3A_34 to %scan3A_36 step %scan3A_37  : i32 {
      %mul3A_290 = arith.constant 16 : i32
      %mul3A_291 = arith.muli %scan3A_289, %mul3A_290 : i32
      %swap3A_292 = arith.index_cast %mul3A_291 : i32 to index
      %swap3A_293 = tpu.vector_load %arg10[%swap3A_292] {strides = array<i32>} : memref<10368xi32, #tpu.memory_space<vmem>>, vector<16xi32>,
      tpu.vector_store %arg10[%swap3A_292], %broadcast_in_dim3A_33 {strides = array<i32>} : memref<10368xi32, #tpu.memory_space<vmem>>, vector<16xi32>,
    }
    %scan3A_38 = arith.constant 648 : i32
    %broadcast_in_dim3A_39 = arith.constant 0.000000e+00 : f32
    %broadcast_in_dim3A_40 = vector.broadcast %broadcast_in_dim3A_39 : f32 to vector<16xf32>
    %scan3A_41 = arith.constant 0 : i32
    %scan3A_42 = arith.constant 0 : i32
    %scan3A_43 = arith.constant 1536 : i32
    %scan3A_44 = arith.addi %scan3A_42, %scan3A_43 : i32
    %scan3A_45 = arith.constant 1 : i32
    scf.for %scan3A_289 = %scan3A_42 to %scan3A_44 step %scan3A_45  : i32 {
      %jit3A_290 = arith.constant 16 : i32
      %div3A_291 = arith.divsi %scan3A_289, %jit3A_290 : i32
      %sign3A_292 = arith.constant 0 : i32
      %sign3A_293 = arith.cmpi sgt, %scan3A_289, %sign3A_292 : i32
      %sign3A_294 = arith.extui %sign3A_293 : i1 to i32
      %sign3A_295 = arith.constant 0 : i32
      %sign3A_296 = arith.cmpi slt, %scan3A_289, %sign3A_295 : i32
      %sign3A_297 = arith.extui %sign3A_296 : i1 to i32
      %sign3A_298 = arith.subi %sign3A_294, %sign3A_297 : i32
      %sign3A_299 = arith.constant 0 : i32
      %sign3A_300 = arith.cmpi sgt, %jit3A_290, %sign3A_299 : i32
      %sign3A_301 = arith.extui %sign3A_300 : i1 to i32
      %sign3A_302 = arith.constant 0 : i32
      %sign3A_303 = arith.cmpi slt, %jit3A_290, %sign3A_302 : i32
      %sign3A_304 = arith.extui %sign3A_303 : i1 to i32
      %sign3A_305 = arith.subi %sign3A_301, %sign3A_304 : i32
      %ne3A_306 = arith.cmpi ne, %sign3A_298, %sign3A_305 : i32
      %rem3A_307 = arith.remsi %scan3A_289, %jit3A_290 : i32
      %ne3A_308 = arith.constant 0 : i32
      %ne3A_309 = arith.cmpi ne, %rem3A_307, %ne3A_308 : i32
      %and3A_310 = arith.andi %ne3A_306, %ne3A_309 : i1
      %sub3A_311 = arith.constant 1 : i32
      %sub3A_312 = arith.subi %div3A_291, %sub3A_311 : i32
      %select_n3A_313 = arith.select %and3A_310, %sub3A_312, %div3A_291 : i32
      %jit3A_314 = arith.constant 16 : i32
      %eq3A_315 = arith.constant 0 : i32
      %eq3A_316 = arith.cmpi eq, %jit3A_314, %eq3A_315 : i32
      %jit3A_317 = arith.constant 1 : i32
      %select_n3A_318 = arith.select %eq3A_316, %jit3A_317, %jit3A_314 : i32
      %rem3A_319 = arith.remsi %scan3A_289, %select_n3A_318 : i32
      %ne3A_320 = arith.constant 0 : i32
      %ne3A_321 = arith.cmpi ne, %rem3A_319, %ne3A_320 : i32
      %lt3A_322 = arith.constant 0 : i32
      %lt3A_323 = arith.cmpi slt, %rem3A_319, %lt3A_322 : i32
      %lt3A_324 = arith.constant 0 : i32
      %lt3A_325 = arith.cmpi slt, %select_n3A_318, %lt3A_324 : i32
      %ne3A_326 = arith.xori %lt3A_323, %lt3A_325 : i1
      %and3A_327 = arith.andi %ne3A_326, %ne3A_321 : i1
      %add3A_328 = arith.addi %rem3A_319, %select_n3A_318 : i32
      %select_n3A_329 = arith.select %and3A_327, %add3A_328, %rem3A_319 : i32
      %mul3A_330 = arith.constant 16 : i32
      %mul3A_331 = arith.muli %select_n3A_329, %mul3A_330 : i32
      %swap3A_332 = arith.index_cast %select_n3A_313 : i32 to index
      %swap3A_333 = arith.index_cast %mul3A_331 : i32 to index
      %swap3A_334 = tpu.vector_load %arg20[%swap3A_332, %swap3A_333] {strides = array<i32>} : memref<96x256xf32, #tpu.memory_space<vmem>>, vector<16xf32>,
      tpu.vector_store %arg20[%swap3A_332, %swap3A_333], %broadcast_in_dim3A_40 {strides = array<i32>} : memref<96x256xf32, #tpu.memory_space<vmem>>, vector<16xf32>,
    }
    %scan3A_46 = arith.constant 1536 : i32
    %scan3A_47 = arith.constant 0 : i32
    %scan3A_48 = arith.constant 0 : i32
    %scan3A_49 = arith.constant 96 : i32
    %scan3A_50 = arith.addi %scan3A_48, %scan3A_49 : i32
    %scan3A_51 = arith.constant 1 : i32
    scf.for %scan3A_289 = %scan3A_48 to %scan3A_50 step %scan3A_51  : i32 {
      %swap3A_290 = arith.index_cast %scan3A_289 : i32 to index
      %swap3A_291 = arith.constant 0 : index
      %swap3A_292 = tpu.vector_load %arg22[%swap3A_290, %swap3A_291] {strides = array<i32>} : memref<96x16xf32, #tpu.memory_space<vmem>>, vector<16xf32>,
      tpu.vector_store %arg22[%swap3A_290, %swap3A_291], %broadcast_in_dim3A_40 {strides = array<i32>} : memref<96x16xf32, #tpu.memory_space<vmem>>, vector<16xf32>,
    }
    %scan3A_52 = arith.constant 96 : i32
    %dma_wait3A = arith.constant 0 : i32
    %dma_wait3A_53 = tpu.memref_slice %arg11[%dma_wait3A] : memref<2048xi32, #tpu.memory_space<vmem>> -> memref<1024xi32, #tpu.memory_space<vmem>>
    %dma_wait3A_54 = arith.constant 0 : i32
    %dma_wait3A_55 = tpu.memref_slice %arg11[%dma_wait3A_54] : memref<2048xi32, #tpu.memory_space<vmem>> -> memref<1024xi32, #tpu.memory_space<vmem>>
    tpu.wait_dma2 semaphore(%arg24 : memref<!tpu.dma_semaphore, #tpu.memory_space<semaphore_mem>>) src(%arg4 : memref<1024xi32, #tpu.memory_space<hbm>>) dst(%dma_wait3A_55 : memref<1024xi32, #tpu.memory_space<vmem>>)
    %dma_wait3A_56 = arith.constant 1024 : i32
    %dma_wait3A_57 = tpu.memref_slice %arg11[%dma_wait3A_56] : memref<2048xi32, #tpu.memory_space<vmem>> -> memref<1024xi32, #tpu.memory_space<vmem>>
    %dma_wait3A_58 = arith.constant 1024 : i32
    %dma_wait3A_59 = tpu.memref_slice %arg11[%dma_wait3A_58] : memref<2048xi32, #tpu.memory_space<vmem>> -> memref<1024xi32, #tpu.memory_space<vmem>>
    tpu.wait_dma2 semaphore(%arg29 : memref<!tpu.dma_semaphore, #tpu.memory_space<semaphore_mem>>) src(%arg5 : memref<1024xi32, #tpu.memory_space<hbm>>) dst(%dma_wait3A_59 : memref<1024xi32, #tpu.memory_space<vmem>>)
    %scan3A_60 = arith.constant 0 : i32
    %scan3A_61 = arith.constant 0 : i32
    %scan3A_62 = arith.constant 128 : i32
    %scan3A_63 = arith.addi %scan3A_61, %scan3A_62 : i32
    %scan3A_64 = arith.constant 1 : i32
    scf.for %scan3A_289 = %scan3A_61 to %scan3A_63 step %scan3A_64  : i32 {
      %mul3A_290 = arith.constant 16 : i32
      %mul3A_291 = arith.muli %scan3A_289, %mul3A_290 : i32
      %get3A_292 = arith.index_cast %mul3A_291 : i32 to index
      %get3A_293 = tpu.vector_load %arg11[%get3A_292] {strides = array<i32>} : memref<2048xi32, #tpu.memory_space<vmem>>, vector<16xi32>,
      %iota3A_294 = tpu.iota {dimensions = array<i32: 0>} : vector<16xi32>
      %mul3A_295 = arith.constant 16 : i32
      %mul3A_296 = arith.muli %scan3A_289, %mul3A_295 : i32
      %add3A_297 = vector.broadcast %mul3A_296 : i32 to vector<16xi32>
      %add3A_298 = arith.addi %iota3A_294, %add3A_297 : vector<16xi32>
      tpu.vector_store_idx %arg10[%get3A_293], %add3A_298 : memref<10368xi32, #tpu.memory_space<vmem>>[vector<16xi32>], vector<16xi32>,
    }
    %scan3A_65 = arith.constant 128 : i32
    %eq3A = arith.constant 0 : i32
    %eq3A_66 = arith.cmpi eq, %add3A, %eq3A : i32
    %convert_element_type3A = arith.extui %eq3A_66 : i1 to i32
    %cond3A = arith.constant 0 : i32
    %cond3A_67 = arith.cmpi ne, %convert_element_type3A, %cond3A : i32
    scf.if %cond3A_67 {
      %scan3A_289 = arith.constant 0 : i32
      %scan3A_290 = arith.constant 0 : i32
      %scan3A_291 = arith.constant 128 : i32
      %scan3A_292 = arith.addi %scan3A_290, %scan3A_291 : i32
      %scan3A_293 = arith.constant 1 : i32
      scf.for %scan3A_295 = %scan3A_290 to %scan3A_292 step %scan3A_293  : i32 {
        %mul3A_296 = arith.constant 16 : i32
        %mul3A_297 = arith.muli %scan3A_295, %mul3A_296 : i32
        %get3A_298 = arith.index_cast %mul3A_297 : i32 to index
        %get3A_299 = tpu.vector_load %arg11[%get3A_298] {strides = array<i32>} : memref<2048xi32, #tpu.memory_space<vmem>>, vector<16xi32>,
        %gather3A_300 = tpu.vector_load_idx %arg10[%get3A_299] : memref<10368xi32, #tpu.memory_space<vmem>>[vector<16xi32>], vector<16xi32>,
        %mul3A_301 = arith.constant 16 : i32
        %mul3A_302 = arith.muli %scan3A_295, %mul3A_301 : i32
        %swap3A_303 = arith.index_cast %mul3A_302 : i32 to index
        %swap3A_304 = tpu.vector_load %arg11[%swap3A_303] {strides = array<i32>} : memref<2048xi32, #tpu.memory_space<vmem>>, vector<16xi32>,
        tpu.vector_store %arg11[%swap3A_303], %gather3A_300 {strides = array<i32>} : memref<2048xi32, #tpu.memory_space<vmem>>, vector<16xi32>,
      }
      %scan3A_294 = arith.constant 128 : i32
      "tpu.region"() ({
        %run_scoped3A = tpu.sem_alloc : memref<!tpu.dma_semaphore, #tpu.memory_space<semaphore_mem>>
        tpu.enqueue_dma source(%arg11 : memref<2048xi32, #tpu.memory_space<vmem>>) target(%arg9 : memref<2048xi32, #tpu.memory_space<hbm>>) target_semaphore(%run_scoped3A : memref<!tpu.dma_semaphore, #tpu.memory_space<semaphore_mem>>)
        tpu.wait_dma2 semaphore(%run_scoped3A : memref<!tpu.dma_semaphore, #tpu.memory_space<semaphore_mem>>) src(%arg11 : memref<2048xi32, #tpu.memory_space<vmem>>) dst(%arg9 : memref<2048xi32, #tpu.memory_space<hbm>>)
        tpu.yield
      }) : () -> ()
    } else {
    }
    %mul3A_68 = arith.constant 96 : i32
    %mul3A_69 = arith.muli %arg1, %mul3A_68 : i32
    %mul3A_70 = arith.constant 96 : i32
    %mul3A_71 = arith.muli %arg1, %mul3A_70 : i32
    %dma_start3A_72 = arith.constant 0 : i32
    %dma_start3A_73 = tpu.memref_slice %arg30[%mul3A_69, %dma_start3A_72] : memref<2112x256xf32, #tpu.memory_space<vmem_shared>> -> memref<96x256xf32, #tpu.memory_space<vmem_shared>>
    %dma_start3A_74 = arith.constant 0 : i32
    %dma_start3A_75 = tpu.memref_slice %arg30[%mul3A_69, %dma_start3A_74] : memref<2112x256xf32, #tpu.memory_space<vmem_shared>> -> memref<96x256xf32, #tpu.memory_space<vmem_shared>>
    tpu.enqueue_dma source(%arg20 : memref<96x256xf32, #tpu.memory_space<vmem>>) target(%dma_start3A_75 : memref<96x256xf32, #tpu.memory_space<vmem_shared>>) target_semaphore(%arg27 : memref<!tpu.dma_semaphore, #tpu.memory_space<semaphore_mem>>)
    %dma_start3A_76 = arith.constant 0 : i32
    %dma_start3A_77 = tpu.memref_slice %arg31[%mul3A_71, %dma_start3A_76] : memref<2112x16xf32, #tpu.memory_space<vmem_shared>> -> memref<96x16xf32, #tpu.memory_space<vmem_shared>>
    %dma_start3A_78 = arith.constant 0 : i32
    %dma_start3A_79 = tpu.memref_slice %arg31[%mul3A_71, %dma_start3A_78] : memref<2112x16xf32, #tpu.memory_space<vmem_shared>> -> memref<96x16xf32, #tpu.memory_space<vmem_shared>>
    tpu.enqueue_dma source(%arg22 : memref<96x16xf32, #tpu.memory_space<vmem>>) target(%dma_start3A_79 : memref<96x16xf32, #tpu.memory_space<vmem_shared>>) target_semaphore(%arg28 : memref<!tpu.dma_semaphore, #tpu.memory_space<semaphore_mem>>)
    %lt3A = arith.constant 6 : i32
    %lt3A_80 = arith.cmpi slt, %arg1, %lt3A : i32
    %convert_element_type3A_81 = arith.extui %lt3A_80 : i1 to i32
    %cond3A_82 = arith.constant 0 : i32
    %cond3A_83 = arith.cmpi ne, %convert_element_type3A_81, %cond3A_82 : i32
    scf.if %cond3A_83 {
      %add3A_289 = arith.constant 16 : i32
      %add3A_290 = arith.addi %add3A_289, %arg1 : i32
      %mul3A_291 = arith.constant 96 : i32
      %mul3A_292 = arith.muli %add3A_290, %mul3A_291 : i32
      %dma_start3A_293 = arith.constant 0 : i32
      %dma_start3A_294 = tpu.memref_slice %arg30[%mul3A_292, %dma_start3A_293] : memref<2112x256xf32, #tpu.memory_space<vmem_shared>> -> memref<96x256xf32, #tpu.memory_space<vmem_shared>>
      %dma_start3A_295 = arith.constant 0 : i32
      %dma_start3A_296 = tpu.memref_slice %arg30[%mul3A_292, %dma_start3A_295] : memref<2112x256xf32, #tpu.memory_space<vmem_shared>> -> memref<96x256xf32, #tpu.memory_space<vmem_shared>>
      tpu.enqueue_dma source(%arg20 : memref<96x256xf32, #tpu.memory_space<vmem>>) target(%dma_start3A_296 : memref<96x256xf32, #tpu.memory_space<vmem_shared>>) target_semaphore(%arg29 : memref<!tpu.dma_semaphore, #tpu.memory_space<semaphore_mem>>)
      %add3A_297 = arith.constant 16 : i32
      %add3A_298 = arith.addi %add3A_297, %arg1 : i32
      %mul3A_299 = arith.constant 96 : i32
      %mul3A_300 = arith.muli %add3A_298, %mul3A_299 : i32
      %dma_start3A_301 = arith.constant 0 : i32
      %dma_start3A_302 = tpu.memref_slice %arg31[%mul3A_300, %dma_start3A_301] : memref<2112x16xf32, #tpu.memory_space<vmem_shared>> -> memref<96x16xf32, #tpu.memory_space<vmem_shared>>
      %dma_start3A_303 = arith.constant 0 : i32
      %dma_start3A_304 = tpu.memref_slice %arg31[%mul3A_300, %dma_start3A_303] : memref<2112x16xf32, #tpu.memory_space<vmem_shared>> -> memref<96x16xf32, #tpu.memory_space<vmem_shared>>
      tpu.enqueue_dma source(%arg22 : memref<96x16xf32, #tpu.memory_space<vmem>>) target(%dma_start3A_304 : memref<96x16xf32, #tpu.memory_space<vmem_shared>>) target_semaphore(%arg24 : memref<!tpu.dma_semaphore, #tpu.memory_space<semaphore_mem>>)
    } else {
    }
    %dma_wait3A_84 = arith.constant 0 : i32
    %dma_wait3A_85 = tpu.memref_slice %arg30[%mul3A_69, %dma_wait3A_84] : memref<2112x256xf32, #tpu.memory_space<vmem_shared>> -> memref<96x256xf32, #tpu.memory_space<vmem_shared>>
    %dma_wait3A_86 = arith.constant 0 : i32
    %dma_wait3A_87 = tpu.memref_slice %arg30[%mul3A_69, %dma_wait3A_86] : memref<2112x256xf32, #tpu.memory_space<vmem_shared>> -> memref<96x256xf32, #tpu.memory_space<vmem_shared>>
    tpu.wait_dma2 semaphore(%arg27 : memref<!tpu.dma_semaphore, #tpu.memory_space<semaphore_mem>>) src(%arg20 : memref<96x256xf32, #tpu.memory_space<vmem>>) dst(%dma_wait3A_87 : memref<96x256xf32, #tpu.memory_space<vmem_shared>>)
    %dma_wait3A_88 = arith.constant 0 : i32
    %dma_wait3A_89 = tpu.memref_slice %arg31[%mul3A_71, %dma_wait3A_88] : memref<2112x16xf32, #tpu.memory_space<vmem_shared>> -> memref<96x16xf32, #tpu.memory_space<vmem_shared>>
    %dma_wait3A_90 = arith.constant 0 : i32
    %dma_wait3A_91 = tpu.memref_slice %arg31[%mul3A_71, %dma_wait3A_90] : memref<2112x16xf32, #tpu.memory_space<vmem_shared>> -> memref<96x16xf32, #tpu.memory_space<vmem_shared>>
    tpu.wait_dma2 semaphore(%arg28 : memref<!tpu.dma_semaphore, #tpu.memory_space<semaphore_mem>>) src(%arg22 : memref<96x16xf32, #tpu.memory_space<vmem>>) dst(%dma_wait3A_91 : memref<96x16xf32, #tpu.memory_space<vmem_shared>>)
    %lt3A_92 = arith.constant 6 : i32
    %lt3A_93 = arith.cmpi slt, %arg1, %lt3A_92 : i32
    %convert_element_type3A_94 = arith.extui %lt3A_93 : i1 to i32
    %cond3A_95 = arith.constant 0 : i32
    %cond3A_96 = arith.cmpi ne, %convert_element_type3A_94, %cond3A_95 : i32
    scf.if %cond3A_96 {
      %add3A_289 = arith.constant 16 : i32
      %add3A_290 = arith.addi %add3A_289, %arg1 : i32
      %mul3A_291 = arith.constant 96 : i32
      %mul3A_292 = arith.muli %add3A_290, %mul3A_291 : i32
      %dma_wait3A_293 = arith.constant 0 : i32
      %dma_wait3A_294 = tpu.memref_slice %arg30[%mul3A_292, %dma_wait3A_293] : memref<2112x256xf32, #tpu.memory_space<vmem_shared>> -> memref<96x256xf32, #tpu.memory_space<vmem_shared>>
      %dma_wait3A_295 = arith.constant 0 : i32
      %dma_wait3A_296 = tpu.memref_slice %arg30[%mul3A_292, %dma_wait3A_295] : memref<2112x256xf32, #tpu.memory_space<vmem_shared>> -> memref<96x256xf32, #tpu.memory_space<vmem_shared>>
      tpu.wait_dma2 semaphore(%arg29 : memref<!tpu.dma_semaphore, #tpu.memory_space<semaphore_mem>>) src(%arg20 : memref<96x256xf32, #tpu.memory_space<vmem>>) dst(%dma_wait3A_296 : memref<96x256xf32, #tpu.memory_space<vmem_shared>>)
      %add3A_297 = arith.constant 16 : i32
      %add3A_298 = arith.addi %add3A_297, %arg1 : i32
      %mul3A_299 = arith.constant 96 : i32
      %mul3A_300 = arith.muli %add3A_298, %mul3A_299 : i32
      %dma_wait3A_301 = arith.constant 0 : i32
      %dma_wait3A_302 = tpu.memref_slice %arg31[%mul3A_300, %dma_wait3A_301] : memref<2112x16xf32, #tpu.memory_space<vmem_shared>> -> memref<96x16xf32, #tpu.memory_space<vmem_shared>>
      %dma_wait3A_303 = arith.constant 0 : i32
      %dma_wait3A_304 = tpu.memref_slice %arg31[%mul3A_300, %dma_wait3A_303] : memref<2112x16xf32, #tpu.memory_space<vmem_shared>> -> memref<96x16xf32, #tpu.memory_space<vmem_shared>>
      tpu.wait_dma2 semaphore(%arg24 : memref<!tpu.dma_semaphore, #tpu.memory_space<semaphore_mem>>) src(%arg22 : memref<96x16xf32, #tpu.memory_space<vmem>>) dst(%dma_wait3A_304 : memref<96x16xf32, #tpu.memory_space<vmem_shared>>)
    } else {
    }
    %iota3A = tpu.iota {dimensions = array<i32: 0>} : vector<16xi32>
    %eq3A_97 = arith.constant 0 : i32
    %eq3A_98 = vector.broadcast %eq3A_97 : i32 to vector<16xi32>
    %eq3A_99 = arith.cmpi eq, %iota3A, %eq3A_98 : vector<16xi32>
    %jit3A = arith.constant 1.000000e+00 : f32
    %jit3A_100 = arith.constant 0.000000e+00 : f32
    %broadcast_in_dim3A_101 = vector.broadcast %jit3A : f32 to vector<16xf32>
    %broadcast_in_dim3A_102 = vector.broadcast %jit3A_100 : f32 to vector<16xf32>
    %select_n3A = arith.select %eq3A_99, %broadcast_in_dim3A_101, %broadcast_in_dim3A_102 : vector<16xi1>, vector<16xf32>
    %scan3A_103 = arith.constant 0 : i32
    %scan3A_104 = arith.constant 0 : i32
    %scan3A_105 = arith.constant 96 : i32
    %scan3A_106 = arith.addi %scan3A_104, %scan3A_105 : i32
    %scan3A_107 = arith.constant 1 : i32
    scf.for %scan3A_289 = %scan3A_104 to %scan3A_106 step %scan3A_107  : i32 {
      %swap3A_290 = arith.index_cast %scan3A_289 : i32 to index
      %swap3A_291 = arith.constant 0 : index
      %swap3A_292 = tpu.vector_load %arg22[%swap3A_290, %swap3A_291] {strides = array<i32>} : memref<96x16xf32, #tpu.memory_space<vmem>>, vector<16xf32>,
      tpu.vector_store %arg22[%swap3A_290, %swap3A_291], %select_n3A {strides = array<i32>} : memref<96x16xf32, #tpu.memory_space<vmem>>, vector<16xf32>,
    }
    %scan3A_108 = arith.constant 96 : i32
    %dma_wait3A_109 = arith.constant 0 : i32
    %dma_wait3A_110 = arith.constant 0 : i32
    %dma_wait3A_111 = tpu.memref_slice %arg12[%dma_wait3A_110] : memref<5008xi32, #tpu.memory_space<vmem>> -> memref<5000xi32, #tpu.memory_space<vmem>>
    %dma_wait3A_112 = tpu.memref_slice %arg3[%dma_wait3A_109, %mul3A_4] : memref<2x160000xi32, #tpu.memory_space<hbm>> -> memref<1x5000xi32, #tpu.memory_space<hbm>>
    %dma_wait3A_113 = tpu.memref_squeeze %dma_wait3A_112 : memref<1x5000xi32, #tpu.memory_space<hbm>> -> memref<5000xi32, #tpu.memory_space<hbm>>
    %dma_wait3A_114 = arith.constant 0 : i32
    %dma_wait3A_115 = tpu.memref_slice %arg12[%dma_wait3A_114] : memref<5008xi32, #tpu.memory_space<vmem>> -> memref<5000xi32, #tpu.memory_space<vmem>>
    %dma_wait3A_116 = tpu.memref_slice %arg3[%dma_wait3A_109, %mul3A_4] : memref<2x160000xi32, #tpu.memory_space<hbm>> -> memref<1x5000xi32, #tpu.memory_space<hbm>>
    %dma_wait3A_117 = tpu.memref_squeeze %dma_wait3A_116 : memref<1x5000xi32, #tpu.memory_space<hbm>> -> memref<5000xi32, #tpu.memory_space<hbm>>
    tpu.wait_dma2 semaphore(%arg25 : memref<!tpu.dma_semaphore, #tpu.memory_space<semaphore_mem>>) src(%dma_wait3A_117 : memref<5000xi32, #tpu.memory_space<hbm>>) dst(%dma_wait3A_115 : memref<5000xi32, #tpu.memory_space<vmem>>)
    %dma_wait3A_118 = arith.constant 1 : i32
    %dma_wait3A_119 = arith.constant 0 : i32
    %dma_wait3A_120 = tpu.memref_slice %arg13[%dma_wait3A_119] : memref<5008xi32, #tpu.memory_space<vmem>> -> memref<5000xi32, #tpu.memory_space<vmem>>
    %dma_wait3A_121 = tpu.memref_slice %arg3[%dma_wait3A_118, %mul3A_6] : memref<2x160000xi32, #tpu.memory_space<hbm>> -> memref<1x5000xi32, #tpu.memory_space<hbm>>
    %dma_wait3A_122 = tpu.memref_squeeze %dma_wait3A_121 : memref<1x5000xi32, #tpu.memory_space<hbm>> -> memref<5000xi32, #tpu.memory_space<hbm>>
    %dma_wait3A_123 = arith.constant 0 : i32
    %dma_wait3A_124 = tpu.memref_slice %arg13[%dma_wait3A_123] : memref<5008xi32, #tpu.memory_space<vmem>> -> memref<5000xi32, #tpu.memory_space<vmem>>
    %dma_wait3A_125 = tpu.memref_slice %arg3[%dma_wait3A_118, %mul3A_6] : memref<2x160000xi32, #tpu.memory_space<hbm>> -> memref<1x5000xi32, #tpu.memory_space<hbm>>
    %dma_wait3A_126 = tpu.memref_squeeze %dma_wait3A_125 : memref<1x5000xi32, #tpu.memory_space<hbm>> -> memref<5000xi32, #tpu.memory_space<hbm>>
    tpu.wait_dma2 semaphore(%arg26 : memref<!tpu.dma_semaphore, #tpu.memory_space<semaphore_mem>>) src(%dma_wait3A_126 : memref<5000xi32, #tpu.memory_space<hbm>>) dst(%dma_wait3A_124 : memref<5000xi32, #tpu.memory_space<vmem>>)
    %barrier3A = arith.constant 0 : index
    tpu.barrier barrier_id(%barrier3A)
    %lt3A_127 = arith.constant 16 : i32
    %lt3A_128 = arith.cmpi slt, %add3A, %lt3A_127 : i32
    %convert_element_type3A_129 = arith.extui %lt3A_128 : i1 to i32
    %cond3A_130 = arith.constant 0 : i32
    %cond3A_131 = arith.cmpi ne, %convert_element_type3A_129, %cond3A_130 : i32
    scf.if %cond3A_131 {
      %mul3A_289 = arith.constant 64 : i32
      %mul3A_290 = arith.muli %add3A, %mul3A_289 : i32
      "tpu.region"() ({
        %run_scoped3A = tpu.sem_alloc : memref<!tpu.dma_semaphore, #tpu.memory_space<semaphore_mem>>
        %dma_start3A_291 = tpu.memref_slice %arg4[%mul3A_290] : memref<1024xi32, #tpu.memory_space<hbm>> -> memref<64xi32, #tpu.memory_space<hbm>>
        %dma_start3A_292 = tpu.memref_slice %arg4[%mul3A_290] : memref<1024xi32, #tpu.memory_space<hbm>> -> memref<64xi32, #tpu.memory_space<hbm>>
        tpu.enqueue_dma source(%dma_start3A_292 : memref<64xi32, #tpu.memory_space<hbm>>) target(%arg23 : memref<64xi32, #tpu.memory_space<vmem>>) target_semaphore(%run_scoped3A : memref<!tpu.dma_semaphore, #tpu.memory_space<semaphore_mem>>)
        %dma_wait3A_293 = tpu.memref_slice %arg4[%mul3A_290] : memref<1024xi32, #tpu.memory_space<hbm>> -> memref<64xi32, #tpu.memory_space<hbm>>
        %dma_wait3A_294 = tpu.memref_slice %arg4[%mul3A_290] : memref<1024xi32, #tpu.memory_space<hbm>> -> memref<64xi32, #tpu.memory_space<hbm>>
        tpu.wait_dma2 semaphore(%run_scoped3A : memref<!tpu.dma_semaphore, #tpu.memory_space<semaphore_mem>>) src(%dma_wait3A_294 : memref<64xi32, #tpu.memory_space<hbm>>) dst(%arg23 : memref<64xi32, #tpu.memory_space<vmem>>)
        tpu.yield
      }) : () -> ()
    } else {
    }
    %ge3A = arith.constant 16 : i32
    %ge3A_132 = arith.cmpi sge, %add3A, %ge3A : i32
    %convert_element_type3A_133 = arith.extui %ge3A_132 : i1 to i32
    %cond3A_134 = arith.constant 0 : i32
    %cond3A_135 = arith.cmpi ne, %convert_element_type3A_133, %cond3A_134 : i32
    scf.if %cond3A_135 {
      %sub3A_289 = arith.constant 16 : i32
      %sub3A_290 = arith.subi %add3A, %sub3A_289 : i32
      %mul3A_291 = arith.constant 64 : i32
      %mul3A_292 = arith.muli %sub3A_290, %mul3A_291 : i32
      "tpu.region"() ({
        %run_scoped3A = tpu.sem_alloc : memref<!tpu.dma_semaphore, #tpu.memory_space<semaphore_mem>>
        %dma_start3A_293 = tpu.memref_slice %arg5[%mul3A_292] : memref<1024xi32, #tpu.memory_space<hbm>> -> memref<64xi32, #tpu.memory_space<hbm>>
        %dma_start3A_294 = tpu.memref_slice %arg5[%mul3A_292] : memref<1024xi32, #tpu.memory_space<hbm>> -> memref<64xi32, #tpu.memory_space<hbm>>
        tpu.enqueue_dma source(%dma_start3A_294 : memref<64xi32, #tpu.memory_space<hbm>>) target(%arg23 : memref<64xi32, #tpu.memory_space<vmem>>) target_semaphore(%run_scoped3A : memref<!tpu.dma_semaphore, #tpu.memory_space<semaphore_mem>>)
        %dma_wait3A_295 = tpu.memref_slice %arg5[%mul3A_292] : memref<1024xi32, #tpu.memory_space<hbm>> -> memref<64xi32, #tpu.memory_space<hbm>>
        %dma_wait3A_296 = tpu.memref_slice %arg5[%mul3A_292] : memref<1024xi32, #tpu.memory_space<hbm>> -> memref<64xi32, #tpu.memory_space<hbm>>
        tpu.wait_dma2 semaphore(%run_scoped3A : memref<!tpu.dma_semaphore, #tpu.memory_space<semaphore_mem>>) src(%dma_wait3A_296 : memref<64xi32, #tpu.memory_space<hbm>>) dst(%arg23 : memref<64xi32, #tpu.memory_space<vmem>>)
        tpu.yield
      }) : () -> ()
    } else {
    }
    "tpu.region"() ({
      %run_scoped3A = tpu.sem_alloc : memref<!tpu.dma_semaphore, #tpu.memory_space<semaphore_mem>>
      %dma_start3A_289 = arith.constant 0 : i32
      %dma_start3A_290 = arith.constant 0 : i32
      %dma_start3A_291 = tpu.memref_slice %arg20[%dma_start3A_289, %dma_start3A_290] : memref<96x256xf32, #tpu.memory_space<vmem>> -> memref<64x256xf32, #tpu.memory_space<vmem>>
      %dma_start3A_292 = arith.constant 0 : i32
      %dma_start3A_293 = arith.constant 0 : i32
      %dma_start3A_294 = tpu.memref_slice %arg2[%dma_start3A_292, %dma_start3A_293] : memref<10000x256xf32, #tpu.memory_space<hbm>> -> memref<10000x256xf32, #tpu.memory_space<hbm>>
      tpu.enqueue_indirect_dma source(%dma_start3A_294 : memref<10000x256xf32, #tpu.memory_space<hbm>>) target(%dma_start3A_291 : memref<64x256xf32, #tpu.memory_space<vmem>>) offsets(%arg23 : memref<64xi32, #tpu.memory_space<vmem>>) semaphore(%run_scoped3A : memref<!tpu.dma_semaphore, #tpu.memory_space<semaphore_mem>>)
      %dma_wait3A_295 = arith.constant 0 : i32
      %dma_wait3A_296 = arith.constant 0 : i32
      %dma_wait3A_297 = tpu.memref_slice %arg20[%dma_wait3A_295, %dma_wait3A_296] : memref<96x256xf32, #tpu.memory_space<vmem>> -> memref<64x256xf32, #tpu.memory_space<vmem>>
      %dma_wait3A_298 = arith.constant 0 : i32
      %dma_wait3A_299 = arith.constant 0 : i32
      %dma_wait3A_300 = tpu.memref_slice %arg2[%dma_wait3A_298, %dma_wait3A_299] : memref<10000x256xf32, #tpu.memory_space<hbm>> -> memref<10000x256xf32, #tpu.memory_space<hbm>>
      tpu.wait_indirect_dma semaphore(%run_scoped3A : memref<!tpu.dma_semaphore, #tpu.memory_space<semaphore_mem>>) src(%dma_wait3A_300 : memref<10000x256xf32, #tpu.memory_space<hbm>>) dst(%dma_wait3A_297 : memref<64x256xf32, #tpu.memory_space<vmem>>)
      tpu.yield
    }) : () -> ()
    %mul3A_136 = arith.constant 64 : i32
    %mul3A_137 = arith.muli %add3A, %mul3A_136 : i32
    "tpu.region"() ({
      %run_scoped3A = tpu.sem_alloc : memref<!tpu.dma_semaphore, #tpu.memory_space<semaphore_mem>>
      %dma_start3A_289 = arith.constant 0 : i32
      %dma_start3A_290 = arith.constant 0 : i32
      %dma_start3A_291 = tpu.memref_slice %arg20[%dma_start3A_289, %dma_start3A_290] : memref<96x256xf32, #tpu.memory_space<vmem>> -> memref<64x256xf32, #tpu.memory_space<vmem>>
      %dma_start3A_292 = arith.constant 0 : i32
      %dma_start3A_293 = tpu.memref_slice %arg8[%mul3A_137, %dma_start3A_292] : memref<2048x256xf32, #tpu.memory_space<hbm>> -> memref<64x256xf32, #tpu.memory_space<hbm>>
      %dma_start3A_294 = arith.constant 0 : i32
      %dma_start3A_295 = tpu.memref_slice %arg8[%mul3A_137, %dma_start3A_294] : memref<2048x256xf32, #tpu.memory_space<hbm>> -> memref<64x256xf32, #tpu.memory_space<hbm>>
      %dma_start3A_296 = arith.constant 0 : i32
      %dma_start3A_297 = arith.constant 0 : i32
      %dma_start3A_298 = tpu.memref_slice %arg20[%dma_start3A_296, %dma_start3A_297] : memref<96x256xf32, #tpu.memory_space<vmem>> -> memref<64x256xf32, #tpu.memory_space<vmem>>
      tpu.enqueue_dma source(%dma_start3A_298 : memref<64x256xf32, #tpu.memory_space<vmem>>) target(%dma_start3A_295 : memref<64x256xf32, #tpu.memory_space<hbm>>) target_semaphore(%run_scoped3A : memref<!tpu.dma_semaphore, #tpu.memory_space<semaphore_mem>>)
      %dma_wait3A_299 = arith.constant 0 : i32
      %dma_wait3A_300 = arith.constant 0 : i32
      %dma_wait3A_301 = tpu.memref_slice %arg20[%dma_wait3A_299, %dma_wait3A_300] : memref<96x256xf32, #tpu.memory_space<vmem>> -> memref<64x256xf32, #tpu.memory_space<vmem>>
      %dma_wait3A_302 = arith.constant 0 : i32
      %dma_wait3A_303 = tpu.memref_slice %arg8[%mul3A_137, %dma_wait3A_302] : memref<2048x256xf32, #tpu.memory_space<hbm>> -> memref<64x256xf32, #tpu.memory_space<hbm>>
      %dma_wait3A_304 = arith.constant 0 : i32
      %dma_wait3A_305 = tpu.memref_slice %arg8[%mul3A_137, %dma_wait3A_304] : memref<2048x256xf32, #tpu.memory_space<hbm>> -> memref<64x256xf32, #tpu.memory_space<hbm>>
      %dma_wait3A_306 = arith.constant 0 : i32
      %dma_wait3A_307 = arith.constant 0 : i32
      %dma_wait3A_308 = tpu.memref_slice %arg20[%dma_wait3A_306, %dma_wait3A_307] : memref<96x256xf32, #tpu.memory_space<vmem>> -> memref<64x256xf32, #tpu.memory_space<vmem>>
      tpu.wait_dma2 semaphore(%run_scoped3A : memref<!tpu.dma_semaphore, #tpu.memory_space<semaphore_mem>>) src(%dma_wait3A_308 : memref<64x256xf32, #tpu.memory_space<vmem>>) dst(%dma_wait3A_305 : memref<64x256xf32, #tpu.memory_space<hbm>>)
      tpu.yield
    }) : () -> ()
    %iota3A_138 = tpu.iota {dimensions = array<i32: 0>} : vector<16xi32>
    %scan3A_139 = arith.constant 0 : i32
    %scan3A_140 = arith.constant 0 : i32
    %scan3A_141 = arith.constant 312 : i32
    %scan3A_142 = arith.addi %scan3A_140, %scan3A_141 : i32
    %scan3A_143 = arith.constant 1 : i32
    %scan3A_144 = scf.for %scan3A_289 = %scan3A_140 to %scan3A_142 step %scan3A_143 iter_args(%scan3A_290 = %scan3A_139) -> (i32)  : i32 {
      %mul3A_291 = arith.constant 16 : i32
      %mul3A_292 = arith.muli %scan3A_289, %mul3A_291 : i32
      %get3A_293 = arith.index_cast %mul3A_292 : i32 to index
      %get3A_294 = tpu.vector_load %arg13[%get3A_293] {strides = array<i32>} : memref<5008xi32, #tpu.memory_space<vmem>>, vector<16xi32>,
      %get3A_295 = arith.index_cast %mul3A_292 : i32 to index
      %get3A_296 = tpu.vector_load %arg12[%get3A_295] {strides = array<i32>} : memref<5008xi32, #tpu.memory_space<vmem>>, vector<16xi32>,
      %gather3A_297 = tpu.vector_load_idx %arg10[%get3A_294] : memref<10368xi32, #tpu.memory_space<vmem>>[vector<16xi32>], vector<16xi32>,
      %ge3A_298 = arith.constant 0 : i32
      %ge3A_299 = vector.broadcast %ge3A_298 : i32 to vector<16xi32>
      %ge3A_300 = arith.cmpi sge, %gather3A_297, %ge3A_299 : vector<16xi32>
      %swap3A_301 = arith.index_cast %scan3A_290 : i32 to index
      %swap3A_302 = tpu.vector_load %arg14[%swap3A_301] masked %ge3A_300 {strides = array<i32>} : memref<5112xi32, #tpu.memory_space<vmem>>, vector<16xi32>, vector<16xi1>
      tpu.vector_store %arg14[%swap3A_301], %gather3A_297 masked %ge3A_300 {strides = array<i32>} : memref<5112xi32, #tpu.memory_space<vmem>>, vector<16xi32>, vector<16xi1>
      %swap3A_303 = arith.index_cast %scan3A_290 : i32 to index
      %swap3A_304 = tpu.vector_load %arg15[%swap3A_303] masked %ge3A_300 {strides = array<i32>} : memref<5112xi32, #tpu.memory_space<vmem>>, vector<16xi32>, vector<16xi1>
      tpu.vector_store %arg15[%swap3A_303], %get3A_296 masked %ge3A_300 {strides = array<i32>} : memref<5112xi32, #tpu.memory_space<vmem>>, vector<16xi32>, vector<16xi1>
      %all_reduce_population_count3A_305 = tpu.all_reduce %ge3A_300 {dim = 0 : i64, kind = #tpu.reduction_kind<sum>} : vector<16xi1> -> vector<16xi32>
      %slice3A_306 = vector.extract_strided_slice %all_reduce_population_count3A_305 {offsets = [0], sizes = [1], strides = [1]} : vector<16xi32> to vector<1xi32>
      %squeeze3A_307 = vector.extract %slice3A_306[0] : i32 from vector<1xi32>
      %add3A_308 = arith.addi %scan3A_290, %squeeze3A_307 : i32
      scf.yield %add3A_308 : i32
    }
    %scan3A_145 = arith.constant 312 : i32
    %get3A = arith.constant 4992 : index
    %get3A_146 = tpu.vector_load %arg13[%get3A] {strides = array<i32>} : memref<5008xi32, #tpu.memory_space<vmem>>, vector<16xi32>,
    %gather3A = tpu.vector_load_idx %arg10[%get3A_146] : memref<10368xi32, #tpu.memory_space<vmem>>[vector<16xi32>], vector<16xi32>,
    %ge3A_147 = arith.constant 0 : i32
    %ge3A_148 = vector.broadcast %ge3A_147 : i32 to vector<16xi32>
    %ge3A_149 = arith.cmpi sge, %gather3A, %ge3A_148 : vector<16xi32>
    %lt3A_150 = arith.constant 8 : i32
    %lt3A_151 = vector.broadcast %lt3A_150 : i32 to vector<16xi32>
    %lt3A_152 = arith.cmpi slt, %iota3A_138, %lt3A_151 : vector<16xi32>
    %and3A = arith.andi %ge3A_149, %lt3A_152 : vector<16xi1>
    %swap3A_153 = arith.index_cast %scan3A_144 : i32 to index
    %swap3A_154 = tpu.vector_load %arg14[%swap3A_153] masked %and3A {strides = array<i32>} : memref<5112xi32, #tpu.memory_space<vmem>>, vector<16xi32>, vector<16xi1>
    tpu.vector_store %arg14[%swap3A_153], %gather3A masked %and3A {strides = array<i32>} : memref<5112xi32, #tpu.memory_space<vmem>>, vector<16xi32>, vector<16xi1>
    %get3A_155 = arith.constant 4992 : index
    %get3A_156 = tpu.vector_load %arg12[%get3A_155] {strides = array<i32>} : memref<5008xi32, #tpu.memory_space<vmem>>, vector<16xi32>,
    %swap3A_157 = arith.index_cast %scan3A_144 : i32 to index
    %swap3A_158 = tpu.vector_load %arg15[%swap3A_157] masked %and3A {strides = array<i32>} : memref<5112xi32, #tpu.memory_space<vmem>>, vector<16xi32>, vector<16xi1>
    tpu.vector_store %arg15[%swap3A_157], %get3A_156 masked %and3A {strides = array<i32>} : memref<5112xi32, #tpu.memory_space<vmem>>, vector<16xi32>, vector<16xi1>
    %all_reduce_population_count3A = tpu.all_reduce %and3A {dim = 0 : i64, kind = #tpu.reduction_kind<sum>} : vector<16xi1> -> vector<16xi32>
    %slice3A = vector.extract_strided_slice %all_reduce_population_count3A {offsets = [0], sizes = [1], strides = [1]} : vector<16xi32> to vector<1xi32>
    %squeeze3A = vector.extract %slice3A[0] : i32 from vector<1xi32>
    %add3A_159 = arith.addi %scan3A_144, %squeeze3A : i32
    %broadcast_in_dim3A_160 = arith.constant 2048 : i32
    %broadcast_in_dim3A_161 = vector.broadcast %broadcast_in_dim3A_160 : i32 to vector<16xi32>
    %add3A_162 = arith.constant 0 : i32
    %add3A_163 = arith.addi %add3A_159, %add3A_162 : i32
    %swap3A_164 = arith.index_cast %add3A_163 : i32 to index
    %swap3A_165 = tpu.vector_load %arg14[%swap3A_164] {strides = array<i32>} : memref<5112xi32, #tpu.memory_space<vmem>>, vector<16xi32>,
    tpu.vector_store %arg14[%swap3A_164], %broadcast_in_dim3A_161 {strides = array<i32>} : memref<5112xi32, #tpu.memory_space<vmem>>, vector<16xi32>,
    %add3A_166 = arith.constant 0 : i32
    %add3A_167 = arith.addi %add3A_159, %add3A_166 : i32
    %swap3A_168 = arith.index_cast %add3A_167 : i32 to index
    %swap3A_169 = tpu.vector_load %arg15[%swap3A_168] {strides = array<i32>} : memref<5112xi32, #tpu.memory_space<vmem>>, vector<16xi32>,
    tpu.vector_store %arg15[%swap3A_168], %broadcast_in_dim3A_1 {strides = array<i32>} : memref<5112xi32, #tpu.memory_space<vmem>>, vector<16xi32>,
    %add3A_170 = arith.constant 16 : i32
    %add3A_171 = arith.addi %add3A_159, %add3A_170 : i32
    %swap3A_172 = arith.index_cast %add3A_171 : i32 to index
    %swap3A_173 = tpu.vector_load %arg14[%swap3A_172] {strides = array<i32>} : memref<5112xi32, #tpu.memory_space<vmem>>, vector<16xi32>,
    tpu.vector_store %arg14[%swap3A_172], %broadcast_in_dim3A_161 {strides = array<i32>} : memref<5112xi32, #tpu.memory_space<vmem>>, vector<16xi32>,
    %add3A_174 = arith.constant 16 : i32
    %add3A_175 = arith.addi %add3A_159, %add3A_174 : i32
    %swap3A_176 = arith.index_cast %add3A_175 : i32 to index
    %swap3A_177 = tpu.vector_load %arg15[%swap3A_176] {strides = array<i32>} : memref<5112xi32, #tpu.memory_space<vmem>>, vector<16xi32>,
    tpu.vector_store %arg15[%swap3A_176], %broadcast_in_dim3A_1 {strides = array<i32>} : memref<5112xi32, #tpu.memory_space<vmem>>, vector<16xi32>,
    %add3A_178 = arith.constant 32 : i32
    %add3A_179 = arith.addi %add3A_159, %add3A_178 : i32
    %swap3A_180 = arith.index_cast %add3A_179 : i32 to index
    %swap3A_181 = tpu.vector_load %arg14[%swap3A_180] {strides = array<i32>} : memref<5112xi32, #tpu.memory_space<vmem>>, vector<16xi32>,
    tpu.vector_store %arg14[%swap3A_180], %broadcast_in_dim3A_161 {strides = array<i32>} : memref<5112xi32, #tpu.memory_space<vmem>>, vector<16xi32>,
    %add3A_182 = arith.constant 32 : i32
    %add3A_183 = arith.addi %add3A_159, %add3A_182 : i32
    %swap3A_184 = arith.index_cast %add3A_183 : i32 to index
    %swap3A_185 = tpu.vector_load %arg15[%swap3A_184] {strides = array<i32>} : memref<5112xi32, #tpu.memory_space<vmem>>, vector<16xi32>,
    tpu.vector_store %arg15[%swap3A_184], %broadcast_in_dim3A_1 {strides = array<i32>} : memref<5112xi32, #tpu.memory_space<vmem>>, vector<16xi32>,
    %add3A_186 = arith.constant 48 : i32
    %add3A_187 = arith.addi %add3A_159, %add3A_186 : i32
    %swap3A_188 = arith.index_cast %add3A_187 : i32 to index
    %swap3A_189 = tpu.vector_load %arg14[%swap3A_188] {strides = array<i32>} : memref<5112xi32, #tpu.memory_space<vmem>>, vector<16xi32>,
    tpu.vector_store %arg14[%swap3A_188], %broadcast_in_dim3A_161 {strides = array<i32>} : memref<5112xi32, #tpu.memory_space<vmem>>, vector<16xi32>,
    %add3A_190 = arith.constant 48 : i32
    %add3A_191 = arith.addi %add3A_159, %add3A_190 : i32
    %swap3A_192 = arith.index_cast %add3A_191 : i32 to index
    %swap3A_193 = tpu.vector_load %arg15[%swap3A_192] {strides = array<i32>} : memref<5112xi32, #tpu.memory_space<vmem>>, vector<16xi32>,
    tpu.vector_store %arg15[%swap3A_192], %broadcast_in_dim3A_1 {strides = array<i32>} : memref<5112xi32, #tpu.memory_space<vmem>>, vector<16xi32>,
    %add3A_194 = arith.constant 64 : i32
    %add3A_195 = arith.addi %add3A_159, %add3A_194 : i32
    %swap3A_196 = arith.index_cast %add3A_195 : i32 to index
    %swap3A_197 = tpu.vector_load %arg14[%swap3A_196] {strides = array<i32>} : memref<5112xi32, #tpu.memory_space<vmem>>, vector<16xi32>,
    tpu.vector_store %arg14[%swap3A_196], %broadcast_in_dim3A_161 {strides = array<i32>} : memref<5112xi32, #tpu.memory_space<vmem>>, vector<16xi32>,
    %add3A_198 = arith.constant 64 : i32
    %add3A_199 = arith.addi %add3A_159, %add3A_198 : i32
    %swap3A_200 = arith.index_cast %add3A_199 : i32 to index
    %swap3A_201 = tpu.vector_load %arg15[%swap3A_200] {strides = array<i32>} : memref<5112xi32, #tpu.memory_space<vmem>>, vector<16xi32>,
    tpu.vector_store %arg15[%swap3A_200], %broadcast_in_dim3A_1 {strides = array<i32>} : memref<5112xi32, #tpu.memory_space<vmem>>, vector<16xi32>,
    %add3A_202 = arith.constant 80 : i32
    %add3A_203 = arith.addi %add3A_159, %add3A_202 : i32
    %swap3A_204 = arith.index_cast %add3A_203 : i32 to index
    %swap3A_205 = tpu.vector_load %arg14[%swap3A_204] {strides = array<i32>} : memref<5112xi32, #tpu.memory_space<vmem>>, vector<16xi32>,
    tpu.vector_store %arg14[%swap3A_204], %broadcast_in_dim3A_161 {strides = array<i32>} : memref<5112xi32, #tpu.memory_space<vmem>>, vector<16xi32>,
    %add3A_206 = arith.constant 80 : i32
    %add3A_207 = arith.addi %add3A_159, %add3A_206 : i32
    %swap3A_208 = arith.index_cast %add3A_207 : i32 to index
    %swap3A_209 = tpu.vector_load %arg15[%swap3A_208] {strides = array<i32>} : memref<5112xi32, #tpu.memory_space<vmem>>, vector<16xi32>,
    tpu.vector_store %arg15[%swap3A_208], %broadcast_in_dim3A_1 {strides = array<i32>} : memref<5112xi32, #tpu.memory_space<vmem>>, vector<16xi32>,
    %add3A_210 = arith.constant 96 : i32
    %add3A_211 = arith.addi %add3A_159, %add3A_210 : i32
    %sub3A = arith.constant 1 : i32
    %sub3A_212 = arith.subi %add3A_211, %sub3A : i32
    %jit3A_213 = arith.constant 96 : i32
    %div3A = arith.divsi %sub3A_212, %jit3A_213 : i32
    %sign3A = arith.constant 0 : i32
    %sign3A_214 = arith.cmpi sgt, %sub3A_212, %sign3A : i32
    %sign3A_215 = arith.extui %sign3A_214 : i1 to i32
    %sign3A_216 = arith.constant 0 : i32
    %sign3A_217 = arith.cmpi slt, %sub3A_212, %sign3A_216 : i32
    %sign3A_218 = arith.extui %sign3A_217 : i1 to i32
    %sign3A_219 = arith.subi %sign3A_215, %sign3A_218 : i32
    %sign3A_220 = arith.constant 0 : i32
    %sign3A_221 = arith.cmpi sgt, %jit3A_213, %sign3A_220 : i32
    %sign3A_222 = arith.extui %sign3A_221 : i1 to i32
    %sign3A_223 = arith.constant 0 : i32
    %sign3A_224 = arith.cmpi slt, %jit3A_213, %sign3A_223 : i32
    %sign3A_225 = arith.extui %sign3A_224 : i1 to i32
    %sign3A_226 = arith.subi %sign3A_222, %sign3A_225 : i32
    %ne3A = arith.cmpi ne, %sign3A_219, %sign3A_226 : i32
    %rem3A = arith.remsi %sub3A_212, %jit3A_213 : i32
    %ne3A_227 = arith.constant 0 : i32
    %ne3A_228 = arith.cmpi ne, %rem3A, %ne3A_227 : i32
    %and3A_229 = arith.andi %ne3A, %ne3A_228 : i1
    %sub3A_230 = arith.constant 1 : i32
    %sub3A_231 = arith.subi %div3A, %sub3A_230 : i32
    %select_n3A_232 = arith.select %and3A_229, %sub3A_231, %div3A : i32
    %gt3A = arith.constant 0 : i32
    %gt3A_233 = arith.cmpi sgt, %select_n3A_232, %gt3A : i32
    %convert_element_type3A_234 = arith.extui %gt3A_233 : i1 to i32
    %cond3A_235 = arith.constant 0 : i32
    %cond3A_236 = arith.cmpi ne, %convert_element_type3A_234, %cond3A_235 : i32
    scf.if %cond3A_236 {
      %get3A_289 = arith.constant 0 : index
      %get3A_290 = tpu.vector_load %arg15[%get3A_289] {strides = array<i32>} : memref<5112xi32, #tpu.memory_space<vmem>>, vector<16xi32>,
      %swap3A_291 = arith.constant 0 : index
      %swap3A_292 = tpu.vector_load %arg16[%swap3A_291] {strides = array<i32>} : memref<96xi32, #tpu.memory_space<vmem>>, vector<16xi32>,
      tpu.vector_store %arg16[%swap3A_291], %get3A_290 {strides = array<i32>} : memref<96xi32, #tpu.memory_space<vmem>>, vector<16xi32>,
      %get3A_293 = arith.constant 0 : index
      %get3A_294 = tpu.vector_load %arg14[%get3A_293] {strides = array<i32>} : memref<5112xi32, #tpu.memory_space<vmem>>, vector<16xi32>,
      %swap3A_295 = arith.constant 0 : index
      %swap3A_296 = tpu.vector_load %arg17[%swap3A_295] {strides = array<i32>} : memref<96xi32, #tpu.memory_space<vmem>>, vector<16xi32>,
      tpu.vector_store %arg17[%swap3A_295], %get3A_294 {strides = array<i32>} : memref<96xi32, #tpu.memory_space<vmem>>, vector<16xi32>,
      %get3A_297 = arith.constant 16 : index
      %get3A_298 = tpu.vector_load %arg15[%get3A_297] {strides = array<i32>} : memref<5112xi32, #tpu.memory_space<vmem>>, vector<16xi32>,
      %swap3A_299 = arith.constant 16 : index
      %swap3A_300 = tpu.vector_load %arg16[%swap3A_299] {strides = array<i32>} : memref<96xi32, #tpu.memory_space<vmem>>, vector<16xi32>,
      tpu.vector_store %arg16[%swap3A_299], %get3A_298 {strides = array<i32>} : memref<96xi32, #tpu.memory_space<vmem>>, vector<16xi32>,
      %get3A_301 = arith.constant 16 : index
      %get3A_302 = tpu.vector_load %arg14[%get3A_301] {strides = array<i32>} : memref<5112xi32, #tpu.memory_space<vmem>>, vector<16xi32>,
      %swap3A_303 = arith.constant 16 : index
      %swap3A_304 = tpu.vector_load %arg17[%swap3A_303] {strides = array<i32>} : memref<96xi32, #tpu.memory_space<vmem>>, vector<16xi32>,
      tpu.vector_store %arg17[%swap3A_303], %get3A_302 {strides = array<i32>} : memref<96xi32, #tpu.memory_space<vmem>>, vector<16xi32>,
      %get3A_305 = arith.constant 32 : index
      %get3A_306 = tpu.vector_load %arg15[%get3A_305] {strides = array<i32>} : memref<5112xi32, #tpu.memory_space<vmem>>, vector<16xi32>,
      %swap3A_307 = arith.constant 32 : index
      %swap3A_308 = tpu.vector_load %arg16[%swap3A_307] {strides = array<i32>} : memref<96xi32, #tpu.memory_space<vmem>>, vector<16xi32>,
      tpu.vector_store %arg16[%swap3A_307], %get3A_306 {strides = array<i32>} : memref<96xi32, #tpu.memory_space<vmem>>, vector<16xi32>,
      %get3A_309 = arith.constant 32 : index
      %get3A_310 = tpu.vector_load %arg14[%get3A_309] {strides = array<i32>} : memref<5112xi32, #tpu.memory_space<vmem>>, vector<16xi32>,
      %swap3A_311 = arith.constant 32 : index
      %swap3A_312 = tpu.vector_load %arg17[%swap3A_311] {strides = array<i32>} : memref<96xi32, #tpu.memory_space<vmem>>, vector<16xi32>,
      tpu.vector_store %arg17[%swap3A_311], %get3A_310 {strides = array<i32>} : memref<96xi32, #tpu.memory_space<vmem>>, vector<16xi32>,
      %get3A_313 = arith.constant 48 : index
      %get3A_314 = tpu.vector_load %arg15[%get3A_313] {strides = array<i32>} : memref<5112xi32, #tpu.memory_space<vmem>>, vector<16xi32>,
      %swap3A_315 = arith.constant 48 : index
      %swap3A_316 = tpu.vector_load %arg16[%swap3A_315] {strides = array<i32>} : memref<96xi32, #tpu.memory_space<vmem>>, vector<16xi32>,
      tpu.vector_store %arg16[%swap3A_315], %get3A_314 {strides = array<i32>} : memref<96xi32, #tpu.memory_space<vmem>>, vector<16xi32>,
      %get3A_317 = arith.constant 48 : index
      %get3A_318 = tpu.vector_load %arg14[%get3A_317] {strides = array<i32>} : memref<5112xi32, #tpu.memory_space<vmem>>, vector<16xi32>,
      %swap3A_319 = arith.constant 48 : index
      %swap3A_320 = tpu.vector_load %arg17[%swap3A_319] {strides = array<i32>} : memref<96xi32, #tpu.memory_space<vmem>>, vector<16xi32>,
      tpu.vector_store %arg17[%swap3A_319], %get3A_318 {strides = array<i32>} : memref<96xi32, #tpu.memory_space<vmem>>, vector<16xi32>,
      %get3A_321 = arith.constant 64 : index
      %get3A_322 = tpu.vector_load %arg15[%get3A_321] {strides = array<i32>} : memref<5112xi32, #tpu.memory_space<vmem>>, vector<16xi32>,
      %swap3A_323 = arith.constant 64 : index
      %swap3A_324 = tpu.vector_load %arg16[%swap3A_323] {strides = array<i32>} : memref<96xi32, #tpu.memory_space<vmem>>, vector<16xi32>,
      tpu.vector_store %arg16[%swap3A_323], %get3A_322 {strides = array<i32>} : memref<96xi32, #tpu.memory_space<vmem>>, vector<16xi32>,
      %get3A_325 = arith.constant 64 : index
      %get3A_326 = tpu.vector_load %arg14[%get3A_325] {strides = array<i32>} : memref<5112xi32, #tpu.memory_space<vmem>>, vector<16xi32>,
      %swap3A_327 = arith.constant 64 : index
      %swap3A_328 = tpu.vector_load %arg17[%swap3A_327] {strides = array<i32>} : memref<96xi32, #tpu.memory_space<vmem>>, vector<16xi32>,
      tpu.vector_store %arg17[%swap3A_327], %get3A_326 {strides = array<i32>} : memref<96xi32, #tpu.memory_space<vmem>>, vector<16xi32>,
      %get3A_329 = arith.constant 80 : index
      %get3A_330 = tpu.vector_load %arg15[%get3A_329] {strides = array<i32>} : memref<5112xi32, #tpu.memory_space<vmem>>, vector<16xi32>,
      %swap3A_331 = arith.constant 80 : index
      %swap3A_332 = tpu.vector_load %arg16[%swap3A_331] {strides = array<i32>} : memref<96xi32, #tpu.memory_space<vmem>>, vector<16xi32>,
      tpu.vector_store %arg16[%swap3A_331], %get3A_330 {strides = array<i32>} : memref<96xi32, #tpu.memory_space<vmem>>, vector<16xi32>,
      %get3A_333 = arith.constant 80 : index
      %get3A_334 = tpu.vector_load %arg14[%get3A_333] {strides = array<i32>} : memref<5112xi32, #tpu.memory_space<vmem>>, vector<16xi32>,
      %swap3A_335 = arith.constant 80 : index
      %swap3A_336 = tpu.vector_load %arg17[%swap3A_335] {strides = array<i32>} : memref<96xi32, #tpu.memory_space<vmem>>, vector<16xi32>,
      tpu.vector_store %arg17[%swap3A_335], %get3A_334 {strides = array<i32>} : memref<96xi32, #tpu.memory_space<vmem>>, vector<16xi32>,
      %dma_start3A_337 = arith.constant 0 : i32
      %dma_start3A_338 = arith.constant 0 : i32
      %dma_start3A_339 = tpu.memref_slice %arg2[%dma_start3A_337, %dma_start3A_338] : memref<10000x256xf32, #tpu.memory_space<hbm>> -> memref<10000x256xf32, #tpu.memory_space<hbm>>
      tpu.enqueue_indirect_dma source(%dma_start3A_339 : memref<10000x256xf32, #tpu.memory_space<hbm>>) target(%arg20 : memref<96x256xf32, #tpu.memory_space<vmem>>) offsets(%arg16 : memref<96xi32, #tpu.memory_space<vmem>>) semaphore(%arg24 : memref<!tpu.dma_semaphore, #tpu.memory_space<semaphore_mem>>)
      %dma_start3A_340 = arith.constant 0 : i32
      %dma_start3A_341 = arith.constant 0 : i32
      %dma_start3A_342 = tpu.memref_slice %arg31[%dma_start3A_340, %dma_start3A_341] : memref<2112x16xf32, #tpu.memory_space<vmem_shared>> -> memref<2112x16xf32, #tpu.memory_space<vmem_shared>>
      tpu.enqueue_indirect_dma source(%arg22 : memref<96x16xf32, #tpu.memory_space<vmem>>) target(%dma_start3A_342 : memref<2112x16xf32, #tpu.memory_space<vmem_shared>>) offsets(%arg17 : memref<96xi32, #tpu.memory_space<vmem>>) semaphore(%arg28 : memref<!tpu.dma_semaphore, #tpu.memory_space<semaphore_mem>>) {add = true}
    } else {
    }
    %while3A = arith.constant 0 : i32
    %while3A_237 = arith.constant 0 : i32
    %while3A_238 = arith.subi %select_n3A_232, %while3A : i32
    %while3A_239 = arith.addi %while3A, %while3A_238 : i32
    %while3A_240 = arith.constant 1 : i32
    %while3A_241 = arith.divsi %while3A_238, %while3A_240 : i32
    %while3A_242 = arith.muli %while3A_241, %while3A_240 : i32
    %while3A_243 = arith.addi %while3A, %while3A_242 : i32
    %while3A_244 = arith.constant 1 : i32
    %while3A_245 = scf.for %while3A_289 = %while3A to %while3A_243 step %while3A_244 iter_args(%while3A_290 = %while3A_237) -> (i32)  : i32 {
      %eq3A_291 = arith.constant 0 : i32
      %eq3A_292 = arith.cmpi eq, %while3A_290, %eq3A_291 : i32
      %convert_element_type3A_293 = arith.extui %eq3A_292 : i1 to i32
      %cond3A_294 = arith.constant 0 : i32
      %cond3A_295 = arith.cmpi ne, %convert_element_type3A_293, %cond3A_294 : i32
      scf.if %cond3A_295 {
        %dma_wait3A_303 = arith.constant 0 : i32
        %dma_wait3A_304 = arith.constant 0 : i32
        %dma_wait3A_305 = tpu.memref_slice %arg2[%dma_wait3A_303, %dma_wait3A_304] : memref<10000x256xf32, #tpu.memory_space<hbm>> -> memref<10000x256xf32, #tpu.memory_space<hbm>>
        tpu.wait_indirect_dma semaphore(%arg24 : memref<!tpu.dma_semaphore, #tpu.memory_space<semaphore_mem>>) src(%dma_wait3A_305 : memref<10000x256xf32, #tpu.memory_space<hbm>>) dst(%arg20 : memref<96x256xf32, #tpu.memory_space<vmem>>)
        %dma_start3A_306 = arith.constant 0 : i32
        %dma_start3A_307 = arith.constant 0 : i32
        %dma_start3A_308 = tpu.memref_slice %arg30[%dma_start3A_306, %dma_start3A_307] : memref<2112x256xf32, #tpu.memory_space<vmem_shared>> -> memref<2112x256xf32, #tpu.memory_space<vmem_shared>>
        tpu.enqueue_indirect_dma source(%arg20 : memref<96x256xf32, #tpu.memory_space<vmem>>) target(%dma_start3A_308 : memref<2112x256xf32, #tpu.memory_space<vmem_shared>>) offsets(%arg17 : memref<96xi32, #tpu.memory_space<vmem>>) semaphore(%arg26 : memref<!tpu.dma_semaphore, #tpu.memory_space<semaphore_mem>>) {add = true}
        %add3A_309 = arith.constant 1 : i32
        %add3A_310 = arith.addi %while3A_289, %add3A_309 : i32
        %lt3A_311 = arith.cmpi slt, %add3A_310, %select_n3A_232 : i32
        %convert_element_type3A_312 = arith.extui %lt3A_311 : i1 to i32
        %cond3A_313 = arith.constant 0 : i32
        %cond3A_314 = arith.cmpi ne, %convert_element_type3A_312, %cond3A_313 : i32
        scf.if %cond3A_314 {
          %ge3A_315 = arith.constant 1 : i32
          %ge3A_316 = arith.cmpi sge, %while3A_289, %ge3A_315 : i32
          %convert_element_type3A_317 = arith.extui %ge3A_316 : i1 to i32
          %cond3A_318 = arith.constant 0 : i32
          %cond3A_319 = arith.cmpi ne, %convert_element_type3A_317, %cond3A_318 : i32
          scf.if %cond3A_319 {
            %dma_wait3A_402 = arith.constant 0 : i32
            %dma_wait3A_403 = arith.constant 0 : i32
            %dma_wait3A_404 = tpu.memref_slice %arg30[%dma_wait3A_402, %dma_wait3A_403] : memref<2112x256xf32, #tpu.memory_space<vmem_shared>> -> memref<2112x256xf32, #tpu.memory_space<vmem_shared>>
            tpu.wait_indirect_dma semaphore(%arg27 : memref<!tpu.dma_semaphore, #tpu.memory_space<semaphore_mem>>) src(%arg21 : memref<96x256xf32, #tpu.memory_space<vmem>>) dst(%dma_wait3A_404 : memref<2112x256xf32, #tpu.memory_space<vmem_shared>>)
            %dma_wait3A_405 = arith.constant 0 : i32
            %dma_wait3A_406 = arith.constant 0 : i32
            %dma_wait3A_407 = tpu.memref_slice %arg31[%dma_wait3A_405, %dma_wait3A_406] : memref<2112x16xf32, #tpu.memory_space<vmem_shared>> -> memref<2112x16xf32, #tpu.memory_space<vmem_shared>>
            tpu.wait_indirect_dma semaphore(%arg29 : memref<!tpu.dma_semaphore, #tpu.memory_space<semaphore_mem>>) src(%arg22 : memref<96x16xf32, #tpu.memory_space<vmem>>) dst(%dma_wait3A_407 : memref<2112x16xf32, #tpu.memory_space<vmem_shared>>)
          } else {
          }
          %add3A_320 = arith.constant 1 : i32
          %add3A_321 = arith.addi %while3A_289, %add3A_320 : i32
          %mul3A_322 = arith.constant 96 : i32
          %mul3A_323 = arith.muli %add3A_321, %mul3A_322 : i32
          %add3A_324 = arith.constant 0 : i32
          %add3A_325 = arith.addi %mul3A_323, %add3A_324 : i32
          %get3A_326 = arith.index_cast %add3A_325 : i32 to index
          %get3A_327 = tpu.vector_load %arg15[%get3A_326] {strides = array<i32>} : memref<5112xi32, #tpu.memory_space<vmem>>, vector<16xi32>,
          %swap3A_328 = arith.constant 0 : index
          %swap3A_329 = tpu.vector_load %arg18[%swap3A_328] {strides = array<i32>} : memref<96xi32, #tpu.memory_space<vmem>>, vector<16xi32>,
          tpu.vector_store %arg18[%swap3A_328], %get3A_327 {strides = array<i32>} : memref<96xi32, #tpu.memory_space<vmem>>, vector<16xi32>,
          %add3A_330 = arith.constant 0 : i32
          %add3A_331 = arith.addi %mul3A_323, %add3A_330 : i32
          %get3A_332 = arith.index_cast %add3A_331 : i32 to index
          %get3A_333 = tpu.vector_load %arg14[%get3A_332] {strides = array<i32>} : memref<5112xi32, #tpu.memory_space<vmem>>, vector<16xi32>,
          %swap3A_334 = arith.constant 0 : index
          %swap3A_335 = tpu.vector_load %arg19[%swap3A_334] {strides = array<i32>} : memref<96xi32, #tpu.memory_space<vmem>>, vector<16xi32>,
          tpu.vector_store %arg19[%swap3A_334], %get3A_333 {strides = array<i32>} : memref<96xi32, #tpu.memory_space<vmem>>, vector<16xi32>,
          %add3A_336 = arith.constant 16 : i32
          %add3A_337 = arith.addi %mul3A_323, %add3A_336 : i32
          %get3A_338 = arith.index_cast %add3A_337 : i32 to index
          %get3A_339 = tpu.vector_load %arg15[%get3A_338] {strides = array<i32>} : memref<5112xi32, #tpu.memory_space<vmem>>, vector<16xi32>,
          %swap3A_340 = arith.constant 16 : index
          %swap3A_341 = tpu.vector_load %arg18[%swap3A_340] {strides = array<i32>} : memref<96xi32, #tpu.memory_space<vmem>>, vector<16xi32>,
          tpu.vector_store %arg18[%swap3A_340], %get3A_339 {strides = array<i32>} : memref<96xi32, #tpu.memory_space<vmem>>, vector<16xi32>,
          %add3A_342 = arith.constant 16 : i32
          %add3A_343 = arith.addi %mul3A_323, %add3A_342 : i32
          %get3A_344 = arith.index_cast %add3A_343 : i32 to index
          %get3A_345 = tpu.vector_load %arg14[%get3A_344] {strides = array<i32>} : memref<5112xi32, #tpu.memory_space<vmem>>, vector<16xi32>,
          %swap3A_346 = arith.constant 16 : index
          %swap3A_347 = tpu.vector_load %arg19[%swap3A_346] {strides = array<i32>} : memref<96xi32, #tpu.memory_space<vmem>>, vector<16xi32>,
          tpu.vector_store %arg19[%swap3A_346], %get3A_345 {strides = array<i32>} : memref<96xi32, #tpu.memory_space<vmem>>, vector<16xi32>,
          %add3A_348 = arith.constant 32 : i32
          %add3A_349 = arith.addi %mul3A_323, %add3A_348 : i32
          %get3A_350 = arith.index_cast %add3A_349 : i32 to index
          %get3A_351 = tpu.vector_load %arg15[%get3A_350] {strides = array<i32>} : memref<5112xi32, #tpu.memory_space<vmem>>, vector<16xi32>,
          %swap3A_352 = arith.constant 32 : index
          %swap3A_353 = tpu.vector_load %arg18[%swap3A_352] {strides = array<i32>} : memref<96xi32, #tpu.memory_space<vmem>>, vector<16xi32>,
          tpu.vector_store %arg18[%swap3A_352], %get3A_351 {strides = array<i32>} : memref<96xi32, #tpu.memory_space<vmem>>, vector<16xi32>,
          %add3A_354 = arith.constant 32 : i32
          %add3A_355 = arith.addi %mul3A_323, %add3A_354 : i32
          %get3A_356 = arith.index_cast %add3A_355 : i32 to index
          %get3A_357 = tpu.vector_load %arg14[%get3A_356] {strides = array<i32>} : memref<5112xi32, #tpu.memory_space<vmem>>, vector<16xi32>,
          %swap3A_358 = arith.constant 32 : index
          %swap3A_359 = tpu.vector_load %arg19[%swap3A_358] {strides = array<i32>} : memref<96xi32, #tpu.memory_space<vmem>>, vector<16xi32>,
          tpu.vector_store %arg19[%swap3A_358], %get3A_357 {strides = array<i32>} : memref<96xi32, #tpu.memory_space<vmem>>, vector<16xi32>,
          %add3A_360 = arith.constant 48 : i32
          %add3A_361 = arith.addi %mul3A_323, %add3A_360 : i32
          %get3A_362 = arith.index_cast %add3A_361 : i32 to index
          %get3A_363 = tpu.vector_load %arg15[%get3A_362] {strides = array<i32>} : memref<5112xi32, #tpu.memory_space<vmem>>, vector<16xi32>,
          %swap3A_364 = arith.constant 48 : index
          %swap3A_365 = tpu.vector_load %arg18[%swap3A_364] {strides = array<i32>} : memref<96xi32, #tpu.memory_space<vmem>>, vector<16xi32>,
          tpu.vector_store %arg18[%swap3A_364], %get3A_363 {strides = array<i32>} : memref<96xi32, #tpu.memory_space<vmem>>, vector<16xi32>,
          %add3A_366 = arith.constant 48 : i32
          %add3A_367 = arith.addi %mul3A_323, %add3A_366 : i32
          %get3A_368 = arith.index_cast %add3A_367 : i32 to index
          %get3A_369 = tpu.vector_load %arg14[%get3A_368] {strides = array<i32>} : memref<5112xi32, #tpu.memory_space<vmem>>, vector<16xi32>,
          %swap3A_370 = arith.constant 48 : index
          %swap3A_371 = tpu.vector_load %arg19[%swap3A_370] {strides = array<i32>} : memref<96xi32, #tpu.memory_space<vmem>>, vector<16xi32>,
          tpu.vector_store %arg19[%swap3A_370], %get3A_369 {strides = array<i32>} : memref<96xi32, #tpu.memory_space<vmem>>, vector<16xi32>,
          %add3A_372 = arith.constant 64 : i32
          %add3A_373 = arith.addi %mul3A_323, %add3A_372 : i32
          %get3A_374 = arith.index_cast %add3A_373 : i32 to index
          %get3A_375 = tpu.vector_load %arg15[%get3A_374] {strides = array<i32>} : memref<5112xi32, #tpu.memory_space<vmem>>, vector<16xi32>,
          %swap3A_376 = arith.constant 64 : index
          %swap3A_377 = tpu.vector_load %arg18[%swap3A_376] {strides = array<i32>} : memref<96xi32, #tpu.memory_space<vmem>>, vector<16xi32>,
          tpu.vector_store %arg18[%swap3A_376], %get3A_375 {strides = array<i32>} : memref<96xi32, #tpu.memory_space<vmem>>, vector<16xi32>,
          %add3A_378 = arith.constant 64 : i32
          %add3A_379 = arith.addi %mul3A_323, %add3A_378 : i32
          %get3A_380 = arith.index_cast %add3A_379 : i32 to index
          %get3A_381 = tpu.vector_load %arg14[%get3A_380] {strides = array<i32>} : memref<5112xi32, #tpu.memory_space<vmem>>, vector<16xi32>,
          %swap3A_382 = arith.constant 64 : index
          %swap3A_383 = tpu.vector_load %arg19[%swap3A_382] {strides = array<i32>} : memref<96xi32, #tpu.memory_space<vmem>>, vector<16xi32>,
          tpu.vector_store %arg19[%swap3A_382], %get3A_381 {strides = array<i32>} : memref<96xi32, #tpu.memory_space<vmem>>, vector<16xi32>,
          %add3A_384 = arith.constant 80 : i32
          %add3A_385 = arith.addi %mul3A_323, %add3A_384 : i32
          %get3A_386 = arith.index_cast %add3A_385 : i32 to index
          %get3A_387 = tpu.vector_load %arg15[%get3A_386] {strides = array<i32>} : memref<5112xi32, #tpu.memory_space<vmem>>, vector<16xi32>,
          %swap3A_388 = arith.constant 80 : index
          %swap3A_389 = tpu.vector_load %arg18[%swap3A_388] {strides = array<i32>} : memref<96xi32, #tpu.memory_space<vmem>>, vector<16xi32>,
          tpu.vector_store %arg18[%swap3A_388], %get3A_387 {strides = array<i32>} : memref<96xi32, #tpu.memory_space<vmem>>, vector<16xi32>,
          %add3A_390 = arith.constant 80 : i32
          %add3A_391 = arith.addi %mul3A_323, %add3A_390 : i32
          %get3A_392 = arith.index_cast %add3A_391 : i32 to index
          %get3A_393 = tpu.vector_load %arg14[%get3A_392] {strides = array<i32>} : memref<5112xi32, #tpu.memory_space<vmem>>, vector<16xi32>,
          %swap3A_394 = arith.constant 80 : index
          %swap3A_395 = tpu.vector_load %arg19[%swap3A_394] {strides = array<i32>} : memref<96xi32, #tpu.memory_space<vmem>>, vector<16xi32>,
          tpu.vector_store %arg19[%swap3A_394], %get3A_393 {strides = array<i32>} : memref<96xi32, #tpu.memory_space<vmem>>, vector<16xi32>,
          %dma_start3A_396 = arith.constant 0 : i32
          %dma_start3A_397 = arith.constant 0 : i32
          %dma_start3A_398 = tpu.memref_slice %arg2[%dma_start3A_396, %dma_start3A_397] : memref<10000x256xf32, #tpu.memory_space<hbm>> -> memref<10000x256xf32, #tpu.memory_space<hbm>>
          tpu.enqueue_indirect_dma source(%dma_start3A_398 : memref<10000x256xf32, #tpu.memory_space<hbm>>) target(%arg21 : memref<96x256xf32, #tpu.memory_space<vmem>>) offsets(%arg18 : memref<96xi32, #tpu.memory_space<vmem>>) semaphore(%arg25 : memref<!tpu.dma_semaphore, #tpu.memory_space<semaphore_mem>>)
          %dma_start3A_399 = arith.constant 0 : i32
          %dma_start3A_400 = arith.constant 0 : i32
          %dma_start3A_401 = tpu.memref_slice %arg31[%dma_start3A_399, %dma_start3A_400] : memref<2112x16xf32, #tpu.memory_space<vmem_shared>> -> memref<2112x16xf32, #tpu.memory_space<vmem_shared>>
          tpu.enqueue_indirect_dma source(%arg22 : memref<96x16xf32, #tpu.memory_space<vmem>>) target(%dma_start3A_401 : memref<2112x16xf32, #tpu.memory_space<vmem_shared>>) offsets(%arg19 : memref<96xi32, #tpu.memory_space<vmem>>) semaphore(%arg29 : memref<!tpu.dma_semaphore, #tpu.memory_space<semaphore_mem>>) {add = true}
        } else {
        }
      } else {
      }
      %eq3A_296 = arith.constant 1 : i32
      %eq3A_297 = arith.cmpi eq, %while3A_290, %eq3A_296 : i32
      %convert_element_type3A_298 = arith.extui %eq3A_297 : i1 to i32
      %cond3A_299 = arith.constant 0 : i32
      %cond3A_300 = arith.cmpi ne, %convert_element_type3A_298, %cond3A_299 : i32
      scf.if %cond3A_300 {
        %dma_wait3A_303 = arith.constant 0 : i32
        %dma_wait3A_304 = arith.constant 0 : i32
        %dma_wait3A_305 = tpu.memref_slice %arg2[%dma_wait3A_303, %dma_wait3A_304] : memref<10000x256xf32, #tpu.memory_space<hbm>> -> memref<10000x256xf32, #tpu.memory_space<hbm>>
        tpu.wait_indirect_dma semaphore(%arg25 : memref<!tpu.dma_semaphore, #tpu.memory_space<semaphore_mem>>) src(%dma_wait3A_305 : memref<10000x256xf32, #tpu.memory_space<hbm>>) dst(%arg21 : memref<96x256xf32, #tpu.memory_space<vmem>>)
        %dma_start3A_306 = arith.constant 0 : i32
        %dma_start3A_307 = arith.constant 0 : i32
        %dma_start3A_308 = tpu.memref_slice %arg30[%dma_start3A_306, %dma_start3A_307] : memref<2112x256xf32, #tpu.memory_space<vmem_shared>> -> memref<2112x256xf32, #tpu.memory_space<vmem_shared>>
        tpu.enqueue_indirect_dma source(%arg21 : memref<96x256xf32, #tpu.memory_space<vmem>>) target(%dma_start3A_308 : memref<2112x256xf32, #tpu.memory_space<vmem_shared>>) offsets(%arg19 : memref<96xi32, #tpu.memory_space<vmem>>) semaphore(%arg27 : memref<!tpu.dma_semaphore, #tpu.memory_space<semaphore_mem>>) {add = true}
        %add3A_309 = arith.constant 1 : i32
        %add3A_310 = arith.addi %while3A_289, %add3A_309 : i32
        %lt3A_311 = arith.cmpi slt, %add3A_310, %select_n3A_232 : i32
        %convert_element_type3A_312 = arith.extui %lt3A_311 : i1 to i32
        %cond3A_313 = arith.constant 0 : i32
        %cond3A_314 = arith.cmpi ne, %convert_element_type3A_312, %cond3A_313 : i32
        scf.if %cond3A_314 {
          %ge3A_315 = arith.constant 1 : i32
          %ge3A_316 = arith.cmpi sge, %while3A_289, %ge3A_315 : i32
          %convert_element_type3A_317 = arith.extui %ge3A_316 : i1 to i32
          %cond3A_318 = arith.constant 0 : i32
          %cond3A_319 = arith.cmpi ne, %convert_element_type3A_317, %cond3A_318 : i32
          scf.if %cond3A_319 {
            %dma_wait3A_402 = arith.constant 0 : i32
            %dma_wait3A_403 = arith.constant 0 : i32
            %dma_wait3A_404 = tpu.memref_slice %arg30[%dma_wait3A_402, %dma_wait3A_403] : memref<2112x256xf32, #tpu.memory_space<vmem_shared>> -> memref<2112x256xf32, #tpu.memory_space<vmem_shared>>
            tpu.wait_indirect_dma semaphore(%arg26 : memref<!tpu.dma_semaphore, #tpu.memory_space<semaphore_mem>>) src(%arg20 : memref<96x256xf32, #tpu.memory_space<vmem>>) dst(%dma_wait3A_404 : memref<2112x256xf32, #tpu.memory_space<vmem_shared>>)
            %dma_wait3A_405 = arith.constant 0 : i32
            %dma_wait3A_406 = arith.constant 0 : i32
            %dma_wait3A_407 = tpu.memref_slice %arg31[%dma_wait3A_405, %dma_wait3A_406] : memref<2112x16xf32, #tpu.memory_space<vmem_shared>> -> memref<2112x16xf32, #tpu.memory_space<vmem_shared>>
            tpu.wait_indirect_dma semaphore(%arg28 : memref<!tpu.dma_semaphore, #tpu.memory_space<semaphore_mem>>) src(%arg22 : memref<96x16xf32, #tpu.memory_space<vmem>>) dst(%dma_wait3A_407 : memref<2112x16xf32, #tpu.memory_space<vmem_shared>>)
          } else {
          }
          %add3A_320 = arith.constant 1 : i32
          %add3A_321 = arith.addi %while3A_289, %add3A_320 : i32
          %mul3A_322 = arith.constant 96 : i32
          %mul3A_323 = arith.muli %add3A_321, %mul3A_322 : i32
          %add3A_324 = arith.constant 0 : i32
          %add3A_325 = arith.addi %mul3A_323, %add3A_324 : i32
          %get3A_326 = arith.index_cast %add3A_325 : i32 to index
          %get3A_327 = tpu.vector_load %arg15[%get3A_326] {strides = array<i32>} : memref<5112xi32, #tpu.memory_space<vmem>>, vector<16xi32>,
          %swap3A_328 = arith.constant 0 : index
          %swap3A_329 = tpu.vector_load %arg16[%swap3A_328] {strides = array<i32>} : memref<96xi32, #tpu.memory_space<vmem>>, vector<16xi32>,
          tpu.vector_store %arg16[%swap3A_328], %get3A_327 {strides = array<i32>} : memref<96xi32, #tpu.memory_space<vmem>>, vector<16xi32>,
          %add3A_330 = arith.constant 0 : i32
          %add3A_331 = arith.addi %mul3A_323, %add3A_330 : i32
          %get3A_332 = arith.index_cast %add3A_331 : i32 to index
          %get3A_333 = tpu.vector_load %arg14[%get3A_332] {strides = array<i32>} : memref<5112xi32, #tpu.memory_space<vmem>>, vector<16xi32>,
          %swap3A_334 = arith.constant 0 : index
          %swap3A_335 = tpu.vector_load %arg17[%swap3A_334] {strides = array<i32>} : memref<96xi32, #tpu.memory_space<vmem>>, vector<16xi32>,
          tpu.vector_store %arg17[%swap3A_334], %get3A_333 {strides = array<i32>} : memref<96xi32, #tpu.memory_space<vmem>>, vector<16xi32>,
          %add3A_336 = arith.constant 16 : i32
          %add3A_337 = arith.addi %mul3A_323, %add3A_336 : i32
          %get3A_338 = arith.index_cast %add3A_337 : i32 to index
          %get3A_339 = tpu.vector_load %arg15[%get3A_338] {strides = array<i32>} : memref<5112xi32, #tpu.memory_space<vmem>>, vector<16xi32>,
          %swap3A_340 = arith.constant 16 : index
          %swap3A_341 = tpu.vector_load %arg16[%swap3A_340] {strides = array<i32>} : memref<96xi32, #tpu.memory_space<vmem>>, vector<16xi32>,
          tpu.vector_store %arg16[%swap3A_340], %get3A_339 {strides = array<i32>} : memref<96xi32, #tpu.memory_space<vmem>>, vector<16xi32>,
          %add3A_342 = arith.constant 16 : i32
          %add3A_343 = arith.addi %mul3A_323, %add3A_342 : i32
          %get3A_344 = arith.index_cast %add3A_343 : i32 to index
          %get3A_345 = tpu.vector_load %arg14[%get3A_344] {strides = array<i32>} : memref<5112xi32, #tpu.memory_space<vmem>>, vector<16xi32>,
          %swap3A_346 = arith.constant 16 : index
          %swap3A_347 = tpu.vector_load %arg17[%swap3A_346] {strides = array<i32>} : memref<96xi32, #tpu.memory_space<vmem>>, vector<16xi32>,
          tpu.vector_store %arg17[%swap3A_346], %get3A_345 {strides = array<i32>} : memref<96xi32, #tpu.memory_space<vmem>>, vector<16xi32>,
          %add3A_348 = arith.constant 32 : i32
          %add3A_349 = arith.addi %mul3A_323, %add3A_348 : i32
          %get3A_350 = arith.index_cast %add3A_349 : i32 to index
          %get3A_351 = tpu.vector_load %arg15[%get3A_350] {strides = array<i32>} : memref<5112xi32, #tpu.memory_space<vmem>>, vector<16xi32>,
          %swap3A_352 = arith.constant 32 : index
          %swap3A_353 = tpu.vector_load %arg16[%swap3A_352] {strides = array<i32>} : memref<96xi32, #tpu.memory_space<vmem>>, vector<16xi32>,
          tpu.vector_store %arg16[%swap3A_352], %get3A_351 {strides = array<i32>} : memref<96xi32, #tpu.memory_space<vmem>>, vector<16xi32>,
          %add3A_354 = arith.constant 32 : i32
          %add3A_355 = arith.addi %mul3A_323, %add3A_354 : i32
          %get3A_356 = arith.index_cast %add3A_355 : i32 to index
          %get3A_357 = tpu.vector_load %arg14[%get3A_356] {strides = array<i32>} : memref<5112xi32, #tpu.memory_space<vmem>>, vector<16xi32>,
          %swap3A_358 = arith.constant 32 : index
          %swap3A_359 = tpu.vector_load %arg17[%swap3A_358] {strides = array<i32>} : memref<96xi32, #tpu.memory_space<vmem>>, vector<16xi32>,
          tpu.vector_store %arg17[%swap3A_358], %get3A_357 {strides = array<i32>} : memref<96xi32, #tpu.memory_space<vmem>>, vector<16xi32>,
          %add3A_360 = arith.constant 48 : i32
          %add3A_361 = arith.addi %mul3A_323, %add3A_360 : i32
          %get3A_362 = arith.index_cast %add3A_361 : i32 to index
          %get3A_363 = tpu.vector_load %arg15[%get3A_362] {strides = array<i32>} : memref<5112xi32, #tpu.memory_space<vmem>>, vector<16xi32>,
          %swap3A_364 = arith.constant 48 : index
          %swap3A_365 = tpu.vector_load %arg16[%swap3A_364] {strides = array<i32>} : memref<96xi32, #tpu.memory_space<vmem>>, vector<16xi32>,
          tpu.vector_store %arg16[%swap3A_364], %get3A_363 {strides = array<i32>} : memref<96xi32, #tpu.memory_space<vmem>>, vector<16xi32>,
          %add3A_366 = arith.constant 48 : i32
          %add3A_367 = arith.addi %mul3A_323, %add3A_366 : i32
          %get3A_368 = arith.index_cast %add3A_367 : i32 to index
          %get3A_369 = tpu.vector_load %arg14[%get3A_368] {strides = array<i32>} : memref<5112xi32, #tpu.memory_space<vmem>>, vector<16xi32>,
          %swap3A_370 = arith.constant 48 : index
          %swap3A_371 = tpu.vector_load %arg17[%swap3A_370] {strides = array<i32>} : memref<96xi32, #tpu.memory_space<vmem>>, vector<16xi32>,
          tpu.vector_store %arg17[%swap3A_370], %get3A_369 {strides = array<i32>} : memref<96xi32, #tpu.memory_space<vmem>>, vector<16xi32>,
          %add3A_372 = arith.constant 64 : i32
          %add3A_373 = arith.addi %mul3A_323, %add3A_372 : i32
          %get3A_374 = arith.index_cast %add3A_373 : i32 to index
          %get3A_375 = tpu.vector_load %arg15[%get3A_374] {strides = array<i32>} : memref<5112xi32, #tpu.memory_space<vmem>>, vector<16xi32>,
          %swap3A_376 = arith.constant 64 : index
          %swap3A_377 = tpu.vector_load %arg16[%swap3A_376] {strides = array<i32>} : memref<96xi32, #tpu.memory_space<vmem>>, vector<16xi32>,
          tpu.vector_store %arg16[%swap3A_376], %get3A_375 {strides = array<i32>} : memref<96xi32, #tpu.memory_space<vmem>>, vector<16xi32>,
          %add3A_378 = arith.constant 64 : i32
          %add3A_379 = arith.addi %mul3A_323, %add3A_378 : i32
          %get3A_380 = arith.index_cast %add3A_379 : i32 to index
          %get3A_381 = tpu.vector_load %arg14[%get3A_380] {strides = array<i32>} : memref<5112xi32, #tpu.memory_space<vmem>>, vector<16xi32>,
          %swap3A_382 = arith.constant 64 : index
          %swap3A_383 = tpu.vector_load %arg17[%swap3A_382] {strides = array<i32>} : memref<96xi32, #tpu.memory_space<vmem>>, vector<16xi32>,
          tpu.vector_store %arg17[%swap3A_382], %get3A_381 {strides = array<i32>} : memref<96xi32, #tpu.memory_space<vmem>>, vector<16xi32>,
          %add3A_384 = arith.constant 80 : i32
          %add3A_385 = arith.addi %mul3A_323, %add3A_384 : i32
          %get3A_386 = arith.index_cast %add3A_385 : i32 to index
          %get3A_387 = tpu.vector_load %arg15[%get3A_386] {strides = array<i32>} : memref<5112xi32, #tpu.memory_space<vmem>>, vector<16xi32>,
          %swap3A_388 = arith.constant 80 : index
          %swap3A_389 = tpu.vector_load %arg16[%swap3A_388] {strides = array<i32>} : memref<96xi32, #tpu.memory_space<vmem>>, vector<16xi32>,
          tpu.vector_store %arg16[%swap3A_388], %get3A_387 {strides = array<i32>} : memref<96xi32, #tpu.memory_space<vmem>>, vector<16xi32>,
          %add3A_390 = arith.constant 80 : i32
          %add3A_391 = arith.addi %mul3A_323, %add3A_390 : i32
          %get3A_392 = arith.index_cast %add3A_391 : i32 to index
          %get3A_393 = tpu.vector_load %arg14[%get3A_392] {strides = array<i32>} : memref<5112xi32, #tpu.memory_space<vmem>>, vector<16xi32>,
          %swap3A_394 = arith.constant 80 : index
          %swap3A_395 = tpu.vector_load %arg17[%swap3A_394] {strides = array<i32>} : memref<96xi32, #tpu.memory_space<vmem>>, vector<16xi32>,
          tpu.vector_store %arg17[%swap3A_394], %get3A_393 {strides = array<i32>} : memref<96xi32, #tpu.memory_space<vmem>>, vector<16xi32>,
          %dma_start3A_396 = arith.constant 0 : i32
          %dma_start3A_397 = arith.constant 0 : i32
          %dma_start3A_398 = tpu.memref_slice %arg2[%dma_start3A_396, %dma_start3A_397] : memref<10000x256xf32, #tpu.memory_space<hbm>> -> memref<10000x256xf32, #tpu.memory_space<hbm>>
          tpu.enqueue_indirect_dma source(%dma_start3A_398 : memref<10000x256xf32, #tpu.memory_space<hbm>>) target(%arg20 : memref<96x256xf32, #tpu.memory_space<vmem>>) offsets(%arg16 : memref<96xi32, #tpu.memory_space<vmem>>) semaphore(%arg24 : memref<!tpu.dma_semaphore, #tpu.memory_space<semaphore_mem>>)
          %dma_start3A_399 = arith.constant 0 : i32
          %dma_start3A_400 = arith.constant 0 : i32
          %dma_start3A_401 = tpu.memref_slice %arg31[%dma_start3A_399, %dma_start3A_400] : memref<2112x16xf32, #tpu.memory_space<vmem_shared>> -> memref<2112x16xf32, #tpu.memory_space<vmem_shared>>
          tpu.enqueue_indirect_dma source(%arg22 : memref<96x16xf32, #tpu.memory_space<vmem>>) target(%dma_start3A_401 : memref<2112x16xf32, #tpu.memory_space<vmem_shared>>) offsets(%arg17 : memref<96xi32, #tpu.memory_space<vmem>>) semaphore(%arg28 : memref<!tpu.dma_semaphore, #tpu.memory_space<semaphore_mem>>) {add = true}
        } else {
        }
      } else {
      }
      %sub3A_301 = arith.constant 1 : i32
      %sub3A_302 = arith.subi %sub3A_301, %while3A_290 : i32
      scf.yield %sub3A_302 : i32
    }
    %while3A_246 = arith.constant 1 : i32
    %while3A_247 = scf.for %while3A_289 = %while3A_243 to %while3A_239 step %while3A_246 iter_args(%while3A_290 = %while3A_245) -> (i32)  : i32 {
      %eq3A_291 = arith.constant 0 : i32
      %eq3A_292 = arith.cmpi eq, %while3A_290, %eq3A_291 : i32
      %convert_element_type3A_293 = arith.extui %eq3A_292 : i1 to i32
      %cond3A_294 = arith.constant 0 : i32
      %cond3A_295 = arith.cmpi ne, %convert_element_type3A_293, %cond3A_294 : i32
      scf.if %cond3A_295 {
        %dma_wait3A_303 = arith.constant 0 : i32
        %dma_wait3A_304 = arith.constant 0 : i32
        %dma_wait3A_305 = tpu.memref_slice %arg2[%dma_wait3A_303, %dma_wait3A_304] : memref<10000x256xf32, #tpu.memory_space<hbm>> -> memref<10000x256xf32, #tpu.memory_space<hbm>>
        tpu.wait_indirect_dma semaphore(%arg24 : memref<!tpu.dma_semaphore, #tpu.memory_space<semaphore_mem>>) src(%dma_wait3A_305 : memref<10000x256xf32, #tpu.memory_space<hbm>>) dst(%arg20 : memref<96x256xf32, #tpu.memory_space<vmem>>)
        %dma_start3A_306 = arith.constant 0 : i32
        %dma_start3A_307 = arith.constant 0 : i32
        %dma_start3A_308 = tpu.memref_slice %arg30[%dma_start3A_306, %dma_start3A_307] : memref<2112x256xf32, #tpu.memory_space<vmem_shared>> -> memref<2112x256xf32, #tpu.memory_space<vmem_shared>>
        tpu.enqueue_indirect_dma source(%arg20 : memref<96x256xf32, #tpu.memory_space<vmem>>) target(%dma_start3A_308 : memref<2112x256xf32, #tpu.memory_space<vmem_shared>>) offsets(%arg17 : memref<96xi32, #tpu.memory_space<vmem>>) semaphore(%arg26 : memref<!tpu.dma_semaphore, #tpu.memory_space<semaphore_mem>>) {add = true}
        %add3A_309 = arith.constant 1 : i32
        %add3A_310 = arith.addi %while3A_289, %add3A_309 : i32
        %lt3A_311 = arith.cmpi slt, %add3A_310, %select_n3A_232 : i32
        %convert_element_type3A_312 = arith.extui %lt3A_311 : i1 to i32
        %cond3A_313 = arith.constant 0 : i32
        %cond3A_314 = arith.cmpi ne, %convert_element_type3A_312, %cond3A_313 : i32
        scf.if %cond3A_314 {
          %ge3A_315 = arith.constant 1 : i32
          %ge3A_316 = arith.cmpi sge, %while3A_289, %ge3A_315 : i32
          %convert_element_type3A_317 = arith.extui %ge3A_316 : i1 to i32
          %cond3A_318 = arith.constant 0 : i32
          %cond3A_319 = arith.cmpi ne, %convert_element_type3A_317, %cond3A_318 : i32
          scf.if %cond3A_319 {
            %dma_wait3A_402 = arith.constant 0 : i32
            %dma_wait3A_403 = arith.constant 0 : i32
            %dma_wait3A_404 = tpu.memref_slice %arg30[%dma_wait3A_402, %dma_wait3A_403] : memref<2112x256xf32, #tpu.memory_space<vmem_shared>> -> memref<2112x256xf32, #tpu.memory_space<vmem_shared>>
            tpu.wait_indirect_dma semaphore(%arg27 : memref<!tpu.dma_semaphore, #tpu.memory_space<semaphore_mem>>) src(%arg21 : memref<96x256xf32, #tpu.memory_space<vmem>>) dst(%dma_wait3A_404 : memref<2112x256xf32, #tpu.memory_space<vmem_shared>>)
            %dma_wait3A_405 = arith.constant 0 : i32
            %dma_wait3A_406 = arith.constant 0 : i32
            %dma_wait3A_407 = tpu.memref_slice %arg31[%dma_wait3A_405, %dma_wait3A_406] : memref<2112x16xf32, #tpu.memory_space<vmem_shared>> -> memref<2112x16xf32, #tpu.memory_space<vmem_shared>>
            tpu.wait_indirect_dma semaphore(%arg29 : memref<!tpu.dma_semaphore, #tpu.memory_space<semaphore_mem>>) src(%arg22 : memref<96x16xf32, #tpu.memory_space<vmem>>) dst(%dma_wait3A_407 : memref<2112x16xf32, #tpu.memory_space<vmem_shared>>)
          } else {
          }
          %add3A_320 = arith.constant 1 : i32
          %add3A_321 = arith.addi %while3A_289, %add3A_320 : i32
          %mul3A_322 = arith.constant 96 : i32
          %mul3A_323 = arith.muli %add3A_321, %mul3A_322 : i32
          %add3A_324 = arith.constant 0 : i32
          %add3A_325 = arith.addi %mul3A_323, %add3A_324 : i32
          %get3A_326 = arith.index_cast %add3A_325 : i32 to index
          %get3A_327 = tpu.vector_load %arg15[%get3A_326] {strides = array<i32>} : memref<5112xi32, #tpu.memory_space<vmem>>, vector<16xi32>,
          %swap3A_328 = arith.constant 0 : index
          %swap3A_329 = tpu.vector_load %arg18[%swap3A_328] {strides = array<i32>} : memref<96xi32, #tpu.memory_space<vmem>>, vector<16xi32>,
          tpu.vector_store %arg18[%swap3A_328], %get3A_327 {strides = array<i32>} : memref<96xi32, #tpu.memory_space<vmem>>, vector<16xi32>,
          %add3A_330 = arith.constant 0 : i32
          %add3A_331 = arith.addi %mul3A_323, %add3A_330 : i32
          %get3A_332 = arith.index_cast %add3A_331 : i32 to index
          %get3A_333 = tpu.vector_load %arg14[%get3A_332] {strides = array<i32>} : memref<5112xi32, #tpu.memory_space<vmem>>, vector<16xi32>,
          %swap3A_334 = arith.constant 0 : index
          %swap3A_335 = tpu.vector_load %arg19[%swap3A_334] {strides = array<i32>} : memref<96xi32, #tpu.memory_space<vmem>>, vector<16xi32>,
          tpu.vector_store %arg19[%swap3A_334], %get3A_333 {strides = array<i32>} : memref<96xi32, #tpu.memory_space<vmem>>, vector<16xi32>,
          %add3A_336 = arith.constant 16 : i32
          %add3A_337 = arith.addi %mul3A_323, %add3A_336 : i32
          %get3A_338 = arith.index_cast %add3A_337 : i32 to index
          %get3A_339 = tpu.vector_load %arg15[%get3A_338] {strides = array<i32>} : memref<5112xi32, #tpu.memory_space<vmem>>, vector<16xi32>,
          %swap3A_340 = arith.constant 16 : index
          %swap3A_341 = tpu.vector_load %arg18[%swap3A_340] {strides = array<i32>} : memref<96xi32, #tpu.memory_space<vmem>>, vector<16xi32>,
          tpu.vector_store %arg18[%swap3A_340], %get3A_339 {strides = array<i32>} : memref<96xi32, #tpu.memory_space<vmem>>, vector<16xi32>,
          %add3A_342 = arith.constant 16 : i32
          %add3A_343 = arith.addi %mul3A_323, %add3A_342 : i32
          %get3A_344 = arith.index_cast %add3A_343 : i32 to index
          %get3A_345 = tpu.vector_load %arg14[%get3A_344] {strides = array<i32>} : memref<5112xi32, #tpu.memory_space<vmem>>, vector<16xi32>,
          %swap3A_346 = arith.constant 16 : index
          %swap3A_347 = tpu.vector_load %arg19[%swap3A_346] {strides = array<i32>} : memref<96xi32, #tpu.memory_space<vmem>>, vector<16xi32>,
          tpu.vector_store %arg19[%swap3A_346], %get3A_345 {strides = array<i32>} : memref<96xi32, #tpu.memory_space<vmem>>, vector<16xi32>,
          %add3A_348 = arith.constant 32 : i32
          %add3A_349 = arith.addi %mul3A_323, %add3A_348 : i32
          %get3A_350 = arith.index_cast %add3A_349 : i32 to index
          %get3A_351 = tpu.vector_load %arg15[%get3A_350] {strides = array<i32>} : memref<5112xi32, #tpu.memory_space<vmem>>, vector<16xi32>,
          %swap3A_352 = arith.constant 32 : index
          %swap3A_353 = tpu.vector_load %arg18[%swap3A_352] {strides = array<i32>} : memref<96xi32, #tpu.memory_space<vmem>>, vector<16xi32>,
          tpu.vector_store %arg18[%swap3A_352], %get3A_351 {strides = array<i32>} : memref<96xi32, #tpu.memory_space<vmem>>, vector<16xi32>,
          %add3A_354 = arith.constant 32 : i32
          %add3A_355 = arith.addi %mul3A_323, %add3A_354 : i32
          %get3A_356 = arith.index_cast %add3A_355 : i32 to index
          %get3A_357 = tpu.vector_load %arg14[%get3A_356] {strides = array<i32>} : memref<5112xi32, #tpu.memory_space<vmem>>, vector<16xi32>,
          %swap3A_358 = arith.constant 32 : index
          %swap3A_359 = tpu.vector_load %arg19[%swap3A_358] {strides = array<i32>} : memref<96xi32, #tpu.memory_space<vmem>>, vector<16xi32>,
          tpu.vector_store %arg19[%swap3A_358], %get3A_357 {strides = array<i32>} : memref<96xi32, #tpu.memory_space<vmem>>, vector<16xi32>,
          %add3A_360 = arith.constant 48 : i32
          %add3A_361 = arith.addi %mul3A_323, %add3A_360 : i32
          %get3A_362 = arith.index_cast %add3A_361 : i32 to index
          %get3A_363 = tpu.vector_load %arg15[%get3A_362] {strides = array<i32>} : memref<5112xi32, #tpu.memory_space<vmem>>, vector<16xi32>,
          %swap3A_364 = arith.constant 48 : index
          %swap3A_365 = tpu.vector_load %arg18[%swap3A_364] {strides = array<i32>} : memref<96xi32, #tpu.memory_space<vmem>>, vector<16xi32>,
          tpu.vector_store %arg18[%swap3A_364], %get3A_363 {strides = array<i32>} : memref<96xi32, #tpu.memory_space<vmem>>, vector<16xi32>,
          %add3A_366 = arith.constant 48 : i32
          %add3A_367 = arith.addi %mul3A_323, %add3A_366 : i32
          %get3A_368 = arith.index_cast %add3A_367 : i32 to index
          %get3A_369 = tpu.vector_load %arg14[%get3A_368] {strides = array<i32>} : memref<5112xi32, #tpu.memory_space<vmem>>, vector<16xi32>,
          %swap3A_370 = arith.constant 48 : index
          %swap3A_371 = tpu.vector_load %arg19[%swap3A_370] {strides = array<i32>} : memref<96xi32, #tpu.memory_space<vmem>>, vector<16xi32>,
          tpu.vector_store %arg19[%swap3A_370], %get3A_369 {strides = array<i32>} : memref<96xi32, #tpu.memory_space<vmem>>, vector<16xi32>,
          %add3A_372 = arith.constant 64 : i32
          %add3A_373 = arith.addi %mul3A_323, %add3A_372 : i32
          %get3A_374 = arith.index_cast %add3A_373 : i32 to index
          %get3A_375 = tpu.vector_load %arg15[%get3A_374] {strides = array<i32>} : memref<5112xi32, #tpu.memory_space<vmem>>, vector<16xi32>,
          %swap3A_376 = arith.constant 64 : index
          %swap3A_377 = tpu.vector_load %arg18[%swap3A_376] {strides = array<i32>} : memref<96xi32, #tpu.memory_space<vmem>>, vector<16xi32>,
          tpu.vector_store %arg18[%swap3A_376], %get3A_375 {strides = array<i32>} : memref<96xi32, #tpu.memory_space<vmem>>, vector<16xi32>,
          %add3A_378 = arith.constant 64 : i32
          %add3A_379 = arith.addi %mul3A_323, %add3A_378 : i32
          %get3A_380 = arith.index_cast %add3A_379 : i32 to index
          %get3A_381 = tpu.vector_load %arg14[%get3A_380] {strides = array<i32>} : memref<5112xi32, #tpu.memory_space<vmem>>, vector<16xi32>,
          %swap3A_382 = arith.constant 64 : index
          %swap3A_383 = tpu.vector_load %arg19[%swap3A_382] {strides = array<i32>} : memref<96xi32, #tpu.memory_space<vmem>>, vector<16xi32>,
          tpu.vector_store %arg19[%swap3A_382], %get3A_381 {strides = array<i32>} : memref<96xi32, #tpu.memory_space<vmem>>, vector<16xi32>,
          %add3A_384 = arith.constant 80 : i32
          %add3A_385 = arith.addi %mul3A_323, %add3A_384 : i32
          %get3A_386 = arith.index_cast %add3A_385 : i32 to index
          %get3A_387 = tpu.vector_load %arg15[%get3A_386] {strides = array<i32>} : memref<5112xi32, #tpu.memory_space<vmem>>, vector<16xi32>,
          %swap3A_388 = arith.constant 80 : index
          %swap3A_389 = tpu.vector_load %arg18[%swap3A_388] {strides = array<i32>} : memref<96xi32, #tpu.memory_space<vmem>>, vector<16xi32>,
          tpu.vector_store %arg18[%swap3A_388], %get3A_387 {strides = array<i32>} : memref<96xi32, #tpu.memory_space<vmem>>, vector<16xi32>,
          %add3A_390 = arith.constant 80 : i32
          %add3A_391 = arith.addi %mul3A_323, %add3A_390 : i32
          %get3A_392 = arith.index_cast %add3A_391 : i32 to index
          %get3A_393 = tpu.vector_load %arg14[%get3A_392] {strides = array<i32>} : memref<5112xi32, #tpu.memory_space<vmem>>, vector<16xi32>,
          %swap3A_394 = arith.constant 80 : index
          %swap3A_395 = tpu.vector_load %arg19[%swap3A_394] {strides = array<i32>} : memref<96xi32, #tpu.memory_space<vmem>>, vector<16xi32>,
          tpu.vector_store %arg19[%swap3A_394], %get3A_393 {strides = array<i32>} : memref<96xi32, #tpu.memory_space<vmem>>, vector<16xi32>,
          %dma_start3A_396 = arith.constant 0 : i32
          %dma_start3A_397 = arith.constant 0 : i32
          %dma_start3A_398 = tpu.memref_slice %arg2[%dma_start3A_396, %dma_start3A_397] : memref<10000x256xf32, #tpu.memory_space<hbm>> -> memref<10000x256xf32, #tpu.memory_space<hbm>>
          tpu.enqueue_indirect_dma source(%dma_start3A_398 : memref<10000x256xf32, #tpu.memory_space<hbm>>) target(%arg21 : memref<96x256xf32, #tpu.memory_space<vmem>>) offsets(%arg18 : memref<96xi32, #tpu.memory_space<vmem>>) semaphore(%arg25 : memref<!tpu.dma_semaphore, #tpu.memory_space<semaphore_mem>>)
          %dma_start3A_399 = arith.constant 0 : i32
          %dma_start3A_400 = arith.constant 0 : i32
          %dma_start3A_401 = tpu.memref_slice %arg31[%dma_start3A_399, %dma_start3A_400] : memref<2112x16xf32, #tpu.memory_space<vmem_shared>> -> memref<2112x16xf32, #tpu.memory_space<vmem_shared>>
          tpu.enqueue_indirect_dma source(%arg22 : memref<96x16xf32, #tpu.memory_space<vmem>>) target(%dma_start3A_401 : memref<2112x16xf32, #tpu.memory_space<vmem_shared>>) offsets(%arg19 : memref<96xi32, #tpu.memory_space<vmem>>) semaphore(%arg29 : memref<!tpu.dma_semaphore, #tpu.memory_space<semaphore_mem>>) {add = true}
        } else {
        }
      } else {
      }
      %eq3A_296 = arith.constant 1 : i32
      %eq3A_297 = arith.cmpi eq, %while3A_290, %eq3A_296 : i32
      %convert_element_type3A_298 = arith.extui %eq3A_297 : i1 to i32
      %cond3A_299 = arith.constant 0 : i32
      %cond3A_300 = arith.cmpi ne, %convert_element_type3A_298, %cond3A_299 : i32
      scf.if %cond3A_300 {
        %dma_wait3A_303 = arith.constant 0 : i32
        %dma_wait3A_304 = arith.constant 0 : i32
        %dma_wait3A_305 = tpu.memref_slice %arg2[%dma_wait3A_303, %dma_wait3A_304] : memref<10000x256xf32, #tpu.memory_space<hbm>> -> memref<10000x256xf32, #tpu.memory_space<hbm>>
        tpu.wait_indirect_dma semaphore(%arg25 : memref<!tpu.dma_semaphore, #tpu.memory_space<semaphore_mem>>) src(%dma_wait3A_305 : memref<10000x256xf32, #tpu.memory_space<hbm>>) dst(%arg21 : memref<96x256xf32, #tpu.memory_space<vmem>>)
        %dma_start3A_306 = arith.constant 0 : i32
        %dma_start3A_307 = arith.constant 0 : i32
        %dma_start3A_308 = tpu.memref_slice %arg30[%dma_start3A_306, %dma_start3A_307] : memref<2112x256xf32, #tpu.memory_space<vmem_shared>> -> memref<2112x256xf32, #tpu.memory_space<vmem_shared>>
        tpu.enqueue_indirect_dma source(%arg21 : memref<96x256xf32, #tpu.memory_space<vmem>>) target(%dma_start3A_308 : memref<2112x256xf32, #tpu.memory_space<vmem_shared>>) offsets(%arg19 : memref<96xi32, #tpu.memory_space<vmem>>) semaphore(%arg27 : memref<!tpu.dma_semaphore, #tpu.memory_space<semaphore_mem>>) {add = true}
        %add3A_309 = arith.constant 1 : i32
        %add3A_310 = arith.addi %while3A_289, %add3A_309 : i32
        %lt3A_311 = arith.cmpi slt, %add3A_310, %select_n3A_232 : i32
        %convert_element_type3A_312 = arith.extui %lt3A_311 : i1 to i32
        %cond3A_313 = arith.constant 0 : i32
        %cond3A_314 = arith.cmpi ne, %convert_element_type3A_312, %cond3A_313 : i32
        scf.if %cond3A_314 {
          %ge3A_315 = arith.constant 1 : i32
          %ge3A_316 = arith.cmpi sge, %while3A_289, %ge3A_315 : i32
          %convert_element_type3A_317 = arith.extui %ge3A_316 : i1 to i32
          %cond3A_318 = arith.constant 0 : i32
          %cond3A_319 = arith.cmpi ne, %convert_element_type3A_317, %cond3A_318 : i32
          scf.if %cond3A_319 {
            %dma_wait3A_402 = arith.constant 0 : i32
            %dma_wait3A_403 = arith.constant 0 : i32
            %dma_wait3A_404 = tpu.memref_slice %arg30[%dma_wait3A_402, %dma_wait3A_403] : memref<2112x256xf32, #tpu.memory_space<vmem_shared>> -> memref<2112x256xf32, #tpu.memory_space<vmem_shared>>
            tpu.wait_indirect_dma semaphore(%arg26 : memref<!tpu.dma_semaphore, #tpu.memory_space<semaphore_mem>>) src(%arg20 : memref<96x256xf32, #tpu.memory_space<vmem>>) dst(%dma_wait3A_404 : memref<2112x256xf32, #tpu.memory_space<vmem_shared>>)
            %dma_wait3A_405 = arith.constant 0 : i32
            %dma_wait3A_406 = arith.constant 0 : i32
            %dma_wait3A_407 = tpu.memref_slice %arg31[%dma_wait3A_405, %dma_wait3A_406] : memref<2112x16xf32, #tpu.memory_space<vmem_shared>> -> memref<2112x16xf32, #tpu.memory_space<vmem_shared>>
            tpu.wait_indirect_dma semaphore(%arg28 : memref<!tpu.dma_semaphore, #tpu.memory_space<semaphore_mem>>) src(%arg22 : memref<96x16xf32, #tpu.memory_space<vmem>>) dst(%dma_wait3A_407 : memref<2112x16xf32, #tpu.memory_space<vmem_shared>>)
          } else {
          }
          %add3A_320 = arith.constant 1 : i32
          %add3A_321 = arith.addi %while3A_289, %add3A_320 : i32
          %mul3A_322 = arith.constant 96 : i32
          %mul3A_323 = arith.muli %add3A_321, %mul3A_322 : i32
          %add3A_324 = arith.constant 0 : i32
          %add3A_325 = arith.addi %mul3A_323, %add3A_324 : i32
          %get3A_326 = arith.index_cast %add3A_325 : i32 to index
          %get3A_327 = tpu.vector_load %arg15[%get3A_326] {strides = array<i32>} : memref<5112xi32, #tpu.memory_space<vmem>>, vector<16xi32>,
          %swap3A_328 = arith.constant 0 : index
          %swap3A_329 = tpu.vector_load %arg16[%swap3A_328] {strides = array<i32>} : memref<96xi32, #tpu.memory_space<vmem>>, vector<16xi32>,
          tpu.vector_store %arg16[%swap3A_328], %get3A_327 {strides = array<i32>} : memref<96xi32, #tpu.memory_space<vmem>>, vector<16xi32>,
          %add3A_330 = arith.constant 0 : i32
          %add3A_331 = arith.addi %mul3A_323, %add3A_330 : i32
          %get3A_332 = arith.index_cast %add3A_331 : i32 to index
          %get3A_333 = tpu.vector_load %arg14[%get3A_332] {strides = array<i32>} : memref<5112xi32, #tpu.memory_space<vmem>>, vector<16xi32>,
          %swap3A_334 = arith.constant 0 : index
          %swap3A_335 = tpu.vector_load %arg17[%swap3A_334] {strides = array<i32>} : memref<96xi32, #tpu.memory_space<vmem>>, vector<16xi32>,
          tpu.vector_store %arg17[%swap3A_334], %get3A_333 {strides = array<i32>} : memref<96xi32, #tpu.memory_space<vmem>>, vector<16xi32>,
          %add3A_336 = arith.constant 16 : i32
          %add3A_337 = arith.addi %mul3A_323, %add3A_336 : i32
          %get3A_338 = arith.index_cast %add3A_337 : i32 to index
          %get3A_339 = tpu.vector_load %arg15[%get3A_338] {strides = array<i32>} : memref<5112xi32, #tpu.memory_space<vmem>>, vector<16xi32>,
          %swap3A_340 = arith.constant 16 : index
          %swap3A_341 = tpu.vector_load %arg16[%swap3A_340] {strides = array<i32>} : memref<96xi32, #tpu.memory_space<vmem>>, vector<16xi32>,
          tpu.vector_store %arg16[%swap3A_340], %get3A_339 {strides = array<i32>} : memref<96xi32, #tpu.memory_space<vmem>>, vector<16xi32>,
          %add3A_342 = arith.constant 16 : i32
          %add3A_343 = arith.addi %mul3A_323, %add3A_342 : i32
          %get3A_344 = arith.index_cast %add3A_343 : i32 to index
          %get3A_345 = tpu.vector_load %arg14[%get3A_344] {strides = array<i32>} : memref<5112xi32, #tpu.memory_space<vmem>>, vector<16xi32>,
          %swap3A_346 = arith.constant 16 : index
          %swap3A_347 = tpu.vector_load %arg17[%swap3A_346] {strides = array<i32>} : memref<96xi32, #tpu.memory_space<vmem>>, vector<16xi32>,
          tpu.vector_store %arg17[%swap3A_346], %get3A_345 {strides = array<i32>} : memref<96xi32, #tpu.memory_space<vmem>>, vector<16xi32>,
          %add3A_348 = arith.constant 32 : i32
          %add3A_349 = arith.addi %mul3A_323, %add3A_348 : i32
          %get3A_350 = arith.index_cast %add3A_349 : i32 to index
          %get3A_351 = tpu.vector_load %arg15[%get3A_350] {strides = array<i32>} : memref<5112xi32, #tpu.memory_space<vmem>>, vector<16xi32>,
          %swap3A_352 = arith.constant 32 : index
          %swap3A_353 = tpu.vector_load %arg16[%swap3A_352] {strides = array<i32>} : memref<96xi32, #tpu.memory_space<vmem>>, vector<16xi32>,
          tpu.vector_store %arg16[%swap3A_352], %get3A_351 {strides = array<i32>} : memref<96xi32, #tpu.memory_space<vmem>>, vector<16xi32>,
          %add3A_354 = arith.constant 32 : i32
          %add3A_355 = arith.addi %mul3A_323, %add3A_354 : i32
          %get3A_356 = arith.index_cast %add3A_355 : i32 to index
          %get3A_357 = tpu.vector_load %arg14[%get3A_356] {strides = array<i32>} : memref<5112xi32, #tpu.memory_space<vmem>>, vector<16xi32>,
          %swap3A_358 = arith.constant 32 : index
          %swap3A_359 = tpu.vector_load %arg17[%swap3A_358] {strides = array<i32>} : memref<96xi32, #tpu.memory_space<vmem>>, vector<16xi32>,
          tpu.vector_store %arg17[%swap3A_358], %get3A_357 {strides = array<i32>} : memref<96xi32, #tpu.memory_space<vmem>>, vector<16xi32>,
          %add3A_360 = arith.constant 48 : i32
          %add3A_361 = arith.addi %mul3A_323, %add3A_360 : i32
          %get3A_362 = arith.index_cast %add3A_361 : i32 to index
          %get3A_363 = tpu.vector_load %arg15[%get3A_362] {strides = array<i32>} : memref<5112xi32, #tpu.memory_space<vmem>>, vector<16xi32>,
          %swap3A_364 = arith.constant 48 : index
          %swap3A_365 = tpu.vector_load %arg16[%swap3A_364] {strides = array<i32>} : memref<96xi32, #tpu.memory_space<vmem>>, vector<16xi32>,
          tpu.vector_store %arg16[%swap3A_364], %get3A_363 {strides = array<i32>} : memref<96xi32, #tpu.memory_space<vmem>>, vector<16xi32>,
          %add3A_366 = arith.constant 48 : i32
          %add3A_367 = arith.addi %mul3A_323, %add3A_366 : i32
          %get3A_368 = arith.index_cast %add3A_367 : i32 to index
          %get3A_369 = tpu.vector_load %arg14[%get3A_368] {strides = array<i32>} : memref<5112xi32, #tpu.memory_space<vmem>>, vector<16xi32>,
          %swap3A_370 = arith.constant 48 : index
          %swap3A_371 = tpu.vector_load %arg17[%swap3A_370] {strides = array<i32>} : memref<96xi32, #tpu.memory_space<vmem>>, vector<16xi32>,
          tpu.vector_store %arg17[%swap3A_370], %get3A_369 {strides = array<i32>} : memref<96xi32, #tpu.memory_space<vmem>>, vector<16xi32>,
          %add3A_372 = arith.constant 64 : i32
          %add3A_373 = arith.addi %mul3A_323, %add3A_372 : i32
          %get3A_374 = arith.index_cast %add3A_373 : i32 to index
          %get3A_375 = tpu.vector_load %arg15[%get3A_374] {strides = array<i32>} : memref<5112xi32, #tpu.memory_space<vmem>>, vector<16xi32>,
          %swap3A_376 = arith.constant 64 : index
          %swap3A_377 = tpu.vector_load %arg16[%swap3A_376] {strides = array<i32>} : memref<96xi32, #tpu.memory_space<vmem>>, vector<16xi32>,
          tpu.vector_store %arg16[%swap3A_376], %get3A_375 {strides = array<i32>} : memref<96xi32, #tpu.memory_space<vmem>>, vector<16xi32>,
          %add3A_378 = arith.constant 64 : i32
          %add3A_379 = arith.addi %mul3A_323, %add3A_378 : i32
          %get3A_380 = arith.index_cast %add3A_379 : i32 to index
          %get3A_381 = tpu.vector_load %arg14[%get3A_380] {strides = array<i32>} : memref<5112xi32, #tpu.memory_space<vmem>>, vector<16xi32>,
          %swap3A_382 = arith.constant 64 : index
          %swap3A_383 = tpu.vector_load %arg17[%swap3A_382] {strides = array<i32>} : memref<96xi32, #tpu.memory_space<vmem>>, vector<16xi32>,
          tpu.vector_store %arg17[%swap3A_382], %get3A_381 {strides = array<i32>} : memref<96xi32, #tpu.memory_space<vmem>>, vector<16xi32>,
          %add3A_384 = arith.constant 80 : i32
          %add3A_385 = arith.addi %mul3A_323, %add3A_384 : i32
          %get3A_386 = arith.index_cast %add3A_385 : i32 to index
          %get3A_387 = tpu.vector_load %arg15[%get3A_386] {strides = array<i32>} : memref<5112xi32, #tpu.memory_space<vmem>>, vector<16xi32>,
          %swap3A_388 = arith.constant 80 : index
          %swap3A_389 = tpu.vector_load %arg16[%swap3A_388] {strides = array<i32>} : memref<96xi32, #tpu.memory_space<vmem>>, vector<16xi32>,
          tpu.vector_store %arg16[%swap3A_388], %get3A_387 {strides = array<i32>} : memref<96xi32, #tpu.memory_space<vmem>>, vector<16xi32>,
          %add3A_390 = arith.constant 80 : i32
          %add3A_391 = arith.addi %mul3A_323, %add3A_390 : i32
          %get3A_392 = arith.index_cast %add3A_391 : i32 to index
          %get3A_393 = tpu.vector_load %arg14[%get3A_392] {strides = array<i32>} : memref<5112xi32, #tpu.memory_space<vmem>>, vector<16xi32>,
          %swap3A_394 = arith.constant 80 : index
          %swap3A_395 = tpu.vector_load %arg17[%swap3A_394] {strides = array<i32>} : memref<96xi32, #tpu.memory_space<vmem>>, vector<16xi32>,
          tpu.vector_store %arg17[%swap3A_394], %get3A_393 {strides = array<i32>} : memref<96xi32, #tpu.memory_space<vmem>>, vector<16xi32>,
          %dma_start3A_396 = arith.constant 0 : i32
          %dma_start3A_397 = arith.constant 0 : i32
          %dma_start3A_398 = tpu.memref_slice %arg2[%dma_start3A_396, %dma_start3A_397] : memref<10000x256xf32, #tpu.memory_space<hbm>> -> memref<10000x256xf32, #tpu.memory_space<hbm>>
          tpu.enqueue_indirect_dma source(%dma_start3A_398 : memref<10000x256xf32, #tpu.memory_space<hbm>>) target(%arg20 : memref<96x256xf32, #tpu.memory_space<vmem>>) offsets(%arg16 : memref<96xi32, #tpu.memory_space<vmem>>) semaphore(%arg24 : memref<!tpu.dma_semaphore, #tpu.memory_space<semaphore_mem>>)
          %dma_start3A_399 = arith.constant 0 : i32
          %dma_start3A_400 = arith.constant 0 : i32
          %dma_start3A_401 = tpu.memref_slice %arg31[%dma_start3A_399, %dma_start3A_400] : memref<2112x16xf32, #tpu.memory_space<vmem_shared>> -> memref<2112x16xf32, #tpu.memory_space<vmem_shared>>
          tpu.enqueue_indirect_dma source(%arg22 : memref<96x16xf32, #tpu.memory_space<vmem>>) target(%dma_start3A_401 : memref<2112x16xf32, #tpu.memory_space<vmem_shared>>) offsets(%arg17 : memref<96xi32, #tpu.memory_space<vmem>>) semaphore(%arg28 : memref<!tpu.dma_semaphore, #tpu.memory_space<semaphore_mem>>) {add = true}
        } else {
        }
      } else {
      }
      %sub3A_301 = arith.constant 1 : i32
      %sub3A_302 = arith.subi %sub3A_301, %while3A_290 : i32
      scf.yield %sub3A_302 : i32
    }
    %sub3A_248 = arith.constant 1 : i32
    %sub3A_249 = arith.subi %select_n3A_232, %sub3A_248 : i32
    %ge3A_250 = arith.constant 2 : i32
    %ge3A_251 = arith.cmpi sge, %select_n3A_232, %ge3A_250 : i32
    %convert_element_type3A_252 = arith.extui %ge3A_251 : i1 to i32
    %cond3A_253 = arith.constant 0 : i32
    %cond3A_254 = arith.cmpi ne, %convert_element_type3A_252, %cond3A_253 : i32
    scf.if %cond3A_254 {
      %sub3A_289 = arith.constant 1 : i32
      %sub3A_290 = arith.subi %sub3A_249, %sub3A_289 : i32
      %jit3A_291 = arith.constant 2 : i32
      %eq3A_292 = arith.constant 0 : i32
      %eq3A_293 = arith.cmpi eq, %jit3A_291, %eq3A_292 : i32
      %jit3A_294 = arith.constant 1 : i32
      %select_n3A_295 = arith.select %eq3A_293, %jit3A_294, %jit3A_291 : i32
      %rem3A_296 = arith.remsi %sub3A_290, %select_n3A_295 : i32
      %ne3A_297 = arith.constant 0 : i32
      %ne3A_298 = arith.cmpi ne, %rem3A_296, %ne3A_297 : i32
      %lt3A_299 = arith.constant 0 : i32
      %lt3A_300 = arith.cmpi slt, %rem3A_296, %lt3A_299 : i32
      %lt3A_301 = arith.constant 0 : i32
      %lt3A_302 = arith.cmpi slt, %select_n3A_295, %lt3A_301 : i32
      %ne3A_303 = arith.xori %lt3A_300, %lt3A_302 : i1
      %and3A_304 = arith.andi %ne3A_303, %ne3A_298 : i1
      %add3A_305 = arith.addi %rem3A_296, %select_n3A_295 : i32
      %select_n3A_306 = arith.select %and3A_304, %add3A_305, %rem3A_296 : i32
      %eq3A_307 = arith.constant 0 : i32
      %eq3A_308 = arith.cmpi eq, %select_n3A_306, %eq3A_307 : i32
      %convert_element_type3A_309 = arith.extui %eq3A_308 : i1 to i32
      %cond3A_310 = arith.constant 0 : i32
      %cond3A_311 = arith.cmpi ne, %convert_element_type3A_309, %cond3A_310 : i32
      scf.if %cond3A_311 {
        %dma_wait3A_317 = arith.constant 0 : i32
        %dma_wait3A_318 = arith.constant 0 : i32
        %dma_wait3A_319 = tpu.memref_slice %arg30[%dma_wait3A_317, %dma_wait3A_318] : memref<2112x256xf32, #tpu.memory_space<vmem_shared>> -> memref<2112x256xf32, #tpu.memory_space<vmem_shared>>
        tpu.wait_indirect_dma semaphore(%arg26 : memref<!tpu.dma_semaphore, #tpu.memory_space<semaphore_mem>>) src(%arg20 : memref<96x256xf32, #tpu.memory_space<vmem>>) dst(%dma_wait3A_319 : memref<2112x256xf32, #tpu.memory_space<vmem_shared>>)
        %dma_wait3A_320 = arith.constant 0 : i32
        %dma_wait3A_321 = arith.constant 0 : i32
        %dma_wait3A_322 = tpu.memref_slice %arg31[%dma_wait3A_320, %dma_wait3A_321] : memref<2112x16xf32, #tpu.memory_space<vmem_shared>> -> memref<2112x16xf32, #tpu.memory_space<vmem_shared>>
        tpu.wait_indirect_dma semaphore(%arg28 : memref<!tpu.dma_semaphore, #tpu.memory_space<semaphore_mem>>) src(%arg22 : memref<96x16xf32, #tpu.memory_space<vmem>>) dst(%dma_wait3A_322 : memref<2112x16xf32, #tpu.memory_space<vmem_shared>>)
      } else {
      }
      %eq3A_312 = arith.constant 1 : i32
      %eq3A_313 = arith.cmpi eq, %select_n3A_306, %eq3A_312 : i32
      %convert_element_type3A_314 = arith.extui %eq3A_313 : i1 to i32
      %cond3A_315 = arith.constant 0 : i32
      %cond3A_316 = arith.cmpi ne, %convert_element_type3A_314, %cond3A_315 : i32
      scf.if %cond3A_316 {
        %dma_wait3A_317 = arith.constant 0 : i32
        %dma_wait3A_318 = arith.constant 0 : i32
        %dma_wait3A_319 = tpu.memref_slice %arg30[%dma_wait3A_317, %dma_wait3A_318] : memref<2112x256xf32, #tpu.memory_space<vmem_shared>> -> memref<2112x256xf32, #tpu.memory_space<vmem_shared>>
        tpu.wait_indirect_dma semaphore(%arg27 : memref<!tpu.dma_semaphore, #tpu.memory_space<semaphore_mem>>) src(%arg21 : memref<96x256xf32, #tpu.memory_space<vmem>>) dst(%dma_wait3A_319 : memref<2112x256xf32, #tpu.memory_space<vmem_shared>>)
        %dma_wait3A_320 = arith.constant 0 : i32
        %dma_wait3A_321 = arith.constant 0 : i32
        %dma_wait3A_322 = tpu.memref_slice %arg31[%dma_wait3A_320, %dma_wait3A_321] : memref<2112x16xf32, #tpu.memory_space<vmem_shared>> -> memref<2112x16xf32, #tpu.memory_space<vmem_shared>>
        tpu.wait_indirect_dma semaphore(%arg29 : memref<!tpu.dma_semaphore, #tpu.memory_space<semaphore_mem>>) src(%arg22 : memref<96x16xf32, #tpu.memory_space<vmem>>) dst(%dma_wait3A_322 : memref<2112x16xf32, #tpu.memory_space<vmem_shared>>)
      } else {
      }
    } else {
    }
    %ge3A_255 = arith.constant 1 : i32
    %ge3A_256 = arith.cmpi sge, %select_n3A_232, %ge3A_255 : i32
    %convert_element_type3A_257 = arith.extui %ge3A_256 : i1 to i32
    %cond3A_258 = arith.constant 0 : i32
    %cond3A_259 = arith.cmpi ne, %convert_element_type3A_257, %cond3A_258 : i32
    scf.if %cond3A_259 {
      %jit3A_289 = arith.constant 2 : i32
      %eq3A_290 = arith.constant 0 : i32
      %eq3A_291 = arith.cmpi eq, %jit3A_289, %eq3A_290 : i32
      %jit3A_292 = arith.constant 1 : i32
      %select_n3A_293 = arith.select %eq3A_291, %jit3A_292, %jit3A_289 : i32
      %rem3A_294 = arith.remsi %sub3A_249, %select_n3A_293 : i32
      %ne3A_295 = arith.constant 0 : i32
      %ne3A_296 = arith.cmpi ne, %rem3A_294, %ne3A_295 : i32
      %lt3A_297 = arith.constant 0 : i32
      %lt3A_298 = arith.cmpi slt, %rem3A_294, %lt3A_297 : i32
      %lt3A_299 = arith.constant 0 : i32
      %lt3A_300 = arith.cmpi slt, %select_n3A_293, %lt3A_299 : i32
      %ne3A_301 = arith.xori %lt3A_298, %lt3A_300 : i1
      %and3A_302 = arith.andi %ne3A_301, %ne3A_296 : i1
      %add3A_303 = arith.addi %rem3A_294, %select_n3A_293 : i32
      %select_n3A_304 = arith.select %and3A_302, %add3A_303, %rem3A_294 : i32
      %eq3A_305 = arith.constant 0 : i32
      %eq3A_306 = arith.cmpi eq, %select_n3A_304, %eq3A_305 : i32
      %convert_element_type3A_307 = arith.extui %eq3A_306 : i1 to i32
      %cond3A_308 = arith.constant 0 : i32
      %cond3A_309 = arith.cmpi ne, %convert_element_type3A_307, %cond3A_308 : i32
      scf.if %cond3A_309 {
        %dma_wait3A_315 = arith.constant 0 : i32
        %dma_wait3A_316 = arith.constant 0 : i32
        %dma_wait3A_317 = tpu.memref_slice %arg30[%dma_wait3A_315, %dma_wait3A_316] : memref<2112x256xf32, #tpu.memory_space<vmem_shared>> -> memref<2112x256xf32, #tpu.memory_space<vmem_shared>>
        tpu.wait_indirect_dma semaphore(%arg26 : memref<!tpu.dma_semaphore, #tpu.memory_space<semaphore_mem>>) src(%arg20 : memref<96x256xf32, #tpu.memory_space<vmem>>) dst(%dma_wait3A_317 : memref<2112x256xf32, #tpu.memory_space<vmem_shared>>)
        %dma_wait3A_318 = arith.constant 0 : i32
        %dma_wait3A_319 = arith.constant 0 : i32
        %dma_wait3A_320 = tpu.memref_slice %arg31[%dma_wait3A_318, %dma_wait3A_319] : memref<2112x16xf32, #tpu.memory_space<vmem_shared>> -> memref<2112x16xf32, #tpu.memory_space<vmem_shared>>
        tpu.wait_indirect_dma semaphore(%arg28 : memref<!tpu.dma_semaphore, #tpu.memory_space<semaphore_mem>>) src(%arg22 : memref<96x16xf32, #tpu.memory_space<vmem>>) dst(%dma_wait3A_320 : memref<2112x16xf32, #tpu.memory_space<vmem_shared>>)
      } else {
      }
      %eq3A_310 = arith.constant 1 : i32
      %eq3A_311 = arith.cmpi eq, %select_n3A_304, %eq3A_310 : i32
      %convert_element_type3A_312 = arith.extui %eq3A_311 : i1 to i32
      %cond3A_313 = arith.constant 0 : i32
      %cond3A_314 = arith.cmpi ne, %convert_element_type3A_312, %cond3A_313 : i32
      scf.if %cond3A_314 {
        %dma_wait3A_315 = arith.constant 0 : i32
        %dma_wait3A_316 = arith.constant 0 : i32
        %dma_wait3A_317 = tpu.memref_slice %arg30[%dma_wait3A_315, %dma_wait3A_316] : memref<2112x256xf32, #tpu.memory_space<vmem_shared>> -> memref<2112x256xf32, #tpu.memory_space<vmem_shared>>
        tpu.wait_indirect_dma semaphore(%arg27 : memref<!tpu.dma_semaphore, #tpu.memory_space<semaphore_mem>>) src(%arg21 : memref<96x256xf32, #tpu.memory_space<vmem>>) dst(%dma_wait3A_317 : memref<2112x256xf32, #tpu.memory_space<vmem_shared>>)
        %dma_wait3A_318 = arith.constant 0 : i32
        %dma_wait3A_319 = arith.constant 0 : i32
        %dma_wait3A_320 = tpu.memref_slice %arg31[%dma_wait3A_318, %dma_wait3A_319] : memref<2112x16xf32, #tpu.memory_space<vmem_shared>> -> memref<2112x16xf32, #tpu.memory_space<vmem_shared>>
        tpu.wait_indirect_dma semaphore(%arg29 : memref<!tpu.dma_semaphore, #tpu.memory_space<semaphore_mem>>) src(%arg22 : memref<96x16xf32, #tpu.memory_space<vmem>>) dst(%dma_wait3A_320 : memref<2112x16xf32, #tpu.memory_space<vmem_shared>>)
      } else {
      }
    } else {
    }
    %barrier3A_260 = arith.constant 0 : index
    tpu.barrier barrier_id(%barrier3A_260)
    %mul3A_261 = arith.constant 128 : i32
    %mul3A_262 = arith.muli %arg1, %mul3A_261 : i32
    %mul3A_263 = arith.constant 128 : i32
    %mul3A_264 = arith.muli %arg1, %mul3A_263 : i32
    %mul3A_265 = arith.constant 128 : i32
    %mul3A_266 = arith.muli %arg1, %mul3A_265 : i32
    %mul3A_267 = arith.constant 128 : i32
    %mul3A_268 = arith.muli %arg1, %mul3A_267 : i32
    %dma_start3A_269 = arith.constant 0 : i32
    %dma_start3A_270 = tpu.memref_slice %arg6[%arg0, %mul3A_264, %dma_start3A_269] : memref<2x2048x256xf32, #tpu.memory_space<hbm>> -> memref<1x128x256xf32, #tpu.memory_space<hbm>>
    %dma_start3A_271 = tpu.memref_squeeze %dma_start3A_270 : memref<1x128x256xf32, #tpu.memory_space<hbm>> -> memref<128x256xf32, #tpu.memory_space<hbm>>
    %dma_start3A_272 = arith.constant 0 : i32
    %dma_start3A_273 = tpu.memref_slice %arg30[%mul3A_262, %dma_start3A_272] : memref<2112x256xf32, #tpu.memory_space<vmem_shared>> -> memref<128x256xf32, #tpu.memory_space<vmem_shared>>
    tpu.enqueue_dma source(%dma_start3A_273 : memref<128x256xf32, #tpu.memory_space<vmem_shared>>) target(%dma_start3A_271 : memref<128x256xf32, #tpu.memory_space<hbm>>) target_semaphore(%arg24 : memref<!tpu.dma_semaphore, #tpu.memory_space<semaphore_mem>>)
    %dma_start3A_274 = arith.constant 0 : i32
    %dma_start3A_275 = tpu.memref_slice %arg7[%arg0, %mul3A_268, %dma_start3A_274] : memref<2x2048x16xf32, #tpu.memory_space<hbm>> -> memref<1x128x16xf32, #tpu.memory_space<hbm>>
    %dma_start3A_276 = tpu.memref_squeeze %dma_start3A_275 : memref<1x128x16xf32, #tpu.memory_space<hbm>> -> memref<128x16xf32, #tpu.memory_space<hbm>>
    %dma_start3A_277 = arith.constant 0 : i32
    %dma_start3A_278 = tpu.memref_slice %arg31[%mul3A_266, %dma_start3A_277] : memref<2112x16xf32, #tpu.memory_space<vmem_shared>> -> memref<128x16xf32, #tpu.memory_space<vmem_shared>>
    tpu.enqueue_dma source(%dma_start3A_278 : memref<128x16xf32, #tpu.memory_space<vmem_shared>>) target(%dma_start3A_276 : memref<128x16xf32, #tpu.memory_space<hbm>>) target_semaphore(%arg25 : memref<!tpu.dma_semaphore, #tpu.memory_space<semaphore_mem>>)
    %dma_wait3A_279 = arith.constant 0 : i32
    %dma_wait3A_280 = tpu.memref_slice %arg6[%arg0, %mul3A_264, %dma_wait3A_279] : memref<2x2048x256xf32, #tpu.memory_space<hbm>> -> memref<1x128x256xf32, #tpu.memory_space<hbm>>
    %dma_wait3A_281 = tpu.memref_squeeze %dma_wait3A_280 : memref<1x128x256xf32, #tpu.memory_space<hbm>> -> memref<128x256xf32, #tpu.memory_space<hbm>>
    %dma_wait3A_282 = arith.constant 0 : i32
    %dma_wait3A_283 = tpu.memref_slice %arg30[%mul3A_262, %dma_wait3A_282] : memref<2112x256xf32, #tpu.memory_space<vmem_shared>> -> memref<128x256xf32, #tpu.memory_space<vmem_shared>>
    tpu.wait_dma2 semaphore(%arg24 : memref<!tpu.dma_semaphore, #tpu.memory_space<semaphore_mem>>) src(%dma_wait3A_283 : memref<128x256xf32, #tpu.memory_space<vmem_shared>>) dst(%dma_wait3A_281 : memref<128x256xf32, #tpu.memory_space<hbm>>)
    %dma_wait3A_284 = arith.constant 0 : i32
    %dma_wait3A_285 = tpu.memref_slice %arg7[%arg0, %mul3A_268, %dma_wait3A_284] : memref<2x2048x16xf32, #tpu.memory_space<hbm>> -> memref<1x128x16xf32, #tpu.memory_space<hbm>>
    %dma_wait3A_286 = tpu.memref_squeeze %dma_wait3A_285 : memref<1x128x16xf32, #tpu.memory_space<hbm>> -> memref<128x16xf32, #tpu.memory_space<hbm>>
    %dma_wait3A_287 = arith.constant 0 : i32
    %dma_wait3A_288 = tpu.memref_slice %arg31[%mul3A_266, %dma_wait3A_287] : memref<2112x16xf32, #tpu.memory_space<vmem_shared>> -> memref<128x16xf32, #tpu.memory_space<vmem_shared>>
    tpu.wait_dma2 semaphore(%arg25 : memref<!tpu.dma_semaphore, #tpu.memory_space<semaphore_mem>>) src(%dma_wait3A_288 : memref<128x16xf32, #tpu.memory_space<vmem_shared>>) dst(%dma_wait3A_286 : memref<128x16xf32, #tpu.memory_space<hbm>>)
    return
  }
}

#map = affine_map<(d0, d1) -> (0, 0)>
#map1 = affine_map<(d0, d1) -> (0)>
module attributes {stable_mosaic.version = 14 : i64} {
  func.func @_out_kernel(%arg0: i32, %arg1: i32, %arg2: memref<2048x256xf32, #tpu.memory_space<hbm>>, %arg3: memref<2048xi32, #tpu.memory_space<hbm>>, %arg4: memref<1024x256xf32, #tpu.memory_space<hbm>>, %arg5: memref<1024x256xf32, #tpu.memory_space<hbm>>, %arg6: memref<64xi32, #tpu.memory_space<vmem>>, %arg7: memref<64x256xf32, #tpu.memory_space<vmem>>) attributes {dimension_semantics = [#tpu.dimension_semantics<core_parallel>, #tpu.dimension_semantics<subcore_parallel>], iteration_bounds = array<i64: 2, 16>, scalar_prefetch = 0 : i64, scratch_operands = 2 : i64, tpu.core_type = #tpu.core_type<sc_vector_subcore>, window_params = [{transform_indices = #map}, {transform_indices = #map1}, {transform_indices = #map}, {transform_indices = #map}]} {
    %mul3A = arith.constant 16 : i32
    %mul3A_0 = arith.muli %arg0, %mul3A : i32
    %add3A = arith.addi %mul3A_0, %arg1 : i32
    %mul3A_1 = arith.constant 64 : i32
    %mul3A_2 = arith.muli %add3A, %mul3A_1 : i32
    "tpu.region"() ({
      %run_scoped3A = tpu.sem_alloc : memref<!tpu.dma_semaphore, #tpu.memory_space<semaphore_mem>>
      %dma_start3A = tpu.memref_slice %arg3[%mul3A_2] : memref<2048xi32, #tpu.memory_space<hbm>> -> memref<64xi32, #tpu.memory_space<hbm>>
      %dma_start3A_9 = tpu.memref_slice %arg3[%mul3A_2] : memref<2048xi32, #tpu.memory_space<hbm>> -> memref<64xi32, #tpu.memory_space<hbm>>
      tpu.enqueue_dma source(%dma_start3A_9 : memref<64xi32, #tpu.memory_space<hbm>>) target(%arg6 : memref<64xi32, #tpu.memory_space<vmem>>) target_semaphore(%run_scoped3A : memref<!tpu.dma_semaphore, #tpu.memory_space<semaphore_mem>>)
      %dma_wait3A = tpu.memref_slice %arg3[%mul3A_2] : memref<2048xi32, #tpu.memory_space<hbm>> -> memref<64xi32, #tpu.memory_space<hbm>>
      %dma_wait3A_10 = tpu.memref_slice %arg3[%mul3A_2] : memref<2048xi32, #tpu.memory_space<hbm>> -> memref<64xi32, #tpu.memory_space<hbm>>
      tpu.wait_dma2 semaphore(%run_scoped3A : memref<!tpu.dma_semaphore, #tpu.memory_space<semaphore_mem>>) src(%dma_wait3A_10 : memref<64xi32, #tpu.memory_space<hbm>>) dst(%arg6 : memref<64xi32, #tpu.memory_space<vmem>>)
      tpu.yield
    }) : () -> ()
    "tpu.region"() ({
      %run_scoped3A = tpu.sem_alloc : memref<!tpu.dma_semaphore, #tpu.memory_space<semaphore_mem>>
      %dma_start3A = arith.constant 0 : i32
      %dma_start3A_9 = arith.constant 0 : i32
      %dma_start3A_10 = tpu.memref_slice %arg2[%dma_start3A, %dma_start3A_9] : memref<2048x256xf32, #tpu.memory_space<hbm>> -> memref<2048x256xf32, #tpu.memory_space<hbm>>
      tpu.enqueue_indirect_dma source(%dma_start3A_10 : memref<2048x256xf32, #tpu.memory_space<hbm>>) target(%arg7 : memref<64x256xf32, #tpu.memory_space<vmem>>) offsets(%arg6 : memref<64xi32, #tpu.memory_space<vmem>>) semaphore(%run_scoped3A : memref<!tpu.dma_semaphore, #tpu.memory_space<semaphore_mem>>)
      %dma_wait3A = arith.constant 0 : i32
      %dma_wait3A_11 = arith.constant 0 : i32
      %dma_wait3A_12 = tpu.memref_slice %arg2[%dma_wait3A, %dma_wait3A_11] : memref<2048x256xf32, #tpu.memory_space<hbm>> -> memref<2048x256xf32, #tpu.memory_space<hbm>>
      tpu.wait_indirect_dma semaphore(%run_scoped3A : memref<!tpu.dma_semaphore, #tpu.memory_space<semaphore_mem>>) src(%dma_wait3A_12 : memref<2048x256xf32, #tpu.memory_space<hbm>>) dst(%arg7 : memref<64x256xf32, #tpu.memory_space<vmem>>)
      tpu.yield
    }) : () -> ()
    %lt3A = arith.constant 16 : i32
    %lt3A_3 = arith.cmpi slt, %add3A, %lt3A : i32
    %convert_element_type3A = arith.extui %lt3A_3 : i1 to i32
    %cond3A = arith.constant 0 : i32
    %cond3A_4 = arith.cmpi ne, %convert_element_type3A, %cond3A : i32
    scf.if %cond3A_4 {
      %mul3A_9 = arith.constant 64 : i32
      %mul3A_10 = arith.muli %add3A, %mul3A_9 : i32
      "tpu.region"() ({
        %run_scoped3A = tpu.sem_alloc : memref<!tpu.dma_semaphore, #tpu.memory_space<semaphore_mem>>
        %dma_start3A = arith.constant 0 : i32
        %dma_start3A_11 = tpu.memref_slice %arg4[%mul3A_10, %dma_start3A] : memref<1024x256xf32, #tpu.memory_space<hbm>> -> memref<64x256xf32, #tpu.memory_space<hbm>>
        %dma_start3A_12 = arith.constant 0 : i32
        %dma_start3A_13 = tpu.memref_slice %arg4[%mul3A_10, %dma_start3A_12] : memref<1024x256xf32, #tpu.memory_space<hbm>> -> memref<64x256xf32, #tpu.memory_space<hbm>>
        tpu.enqueue_dma source(%arg7 : memref<64x256xf32, #tpu.memory_space<vmem>>) target(%dma_start3A_13 : memref<64x256xf32, #tpu.memory_space<hbm>>) target_semaphore(%run_scoped3A : memref<!tpu.dma_semaphore, #tpu.memory_space<semaphore_mem>>)
        %dma_wait3A = arith.constant 0 : i32
        %dma_wait3A_14 = tpu.memref_slice %arg4[%mul3A_10, %dma_wait3A] : memref<1024x256xf32, #tpu.memory_space<hbm>> -> memref<64x256xf32, #tpu.memory_space<hbm>>
        %dma_wait3A_15 = arith.constant 0 : i32
        %dma_wait3A_16 = tpu.memref_slice %arg4[%mul3A_10, %dma_wait3A_15] : memref<1024x256xf32, #tpu.memory_space<hbm>> -> memref<64x256xf32, #tpu.memory_space<hbm>>
        tpu.wait_dma2 semaphore(%run_scoped3A : memref<!tpu.dma_semaphore, #tpu.memory_space<semaphore_mem>>) src(%arg7 : memref<64x256xf32, #tpu.memory_space<vmem>>) dst(%dma_wait3A_16 : memref<64x256xf32, #tpu.memory_space<hbm>>)
        tpu.yield
      }) : () -> ()
    } else {
    }
    %ge3A = arith.constant 16 : i32
    %ge3A_5 = arith.cmpi sge, %add3A, %ge3A : i32
    %convert_element_type3A_6 = arith.extui %ge3A_5 : i1 to i32
    %cond3A_7 = arith.constant 0 : i32
    %cond3A_8 = arith.cmpi ne, %convert_element_type3A_6, %cond3A_7 : i32
    scf.if %cond3A_8 {
      %sub3A = arith.constant 16 : i32
      %sub3A_9 = arith.subi %add3A, %sub3A : i32
      %mul3A_10 = arith.constant 64 : i32
      %mul3A_11 = arith.muli %sub3A_9, %mul3A_10 : i32
      "tpu.region"() ({
        %run_scoped3A = tpu.sem_alloc : memref<!tpu.dma_semaphore, #tpu.memory_space<semaphore_mem>>
        %dma_start3A = arith.constant 0 : i32
        %dma_start3A_12 = tpu.memref_slice %arg5[%mul3A_11, %dma_start3A] : memref<1024x256xf32, #tpu.memory_space<hbm>> -> memref<64x256xf32, #tpu.memory_space<hbm>>
        %dma_start3A_13 = arith.constant 0 : i32
        %dma_start3A_14 = tpu.memref_slice %arg5[%mul3A_11, %dma_start3A_13] : memref<1024x256xf32, #tpu.memory_space<hbm>> -> memref<64x256xf32, #tpu.memory_space<hbm>>
        tpu.enqueue_dma source(%arg7 : memref<64x256xf32, #tpu.memory_space<vmem>>) target(%dma_start3A_14 : memref<64x256xf32, #tpu.memory_space<hbm>>) target_semaphore(%run_scoped3A : memref<!tpu.dma_semaphore, #tpu.memory_space<semaphore_mem>>)
        %dma_wait3A = arith.constant 0 : i32
        %dma_wait3A_15 = tpu.memref_slice %arg5[%mul3A_11, %dma_wait3A] : memref<1024x256xf32, #tpu.memory_space<hbm>> -> memref<64x256xf32, #tpu.memory_space<hbm>>
        %dma_wait3A_16 = arith.constant 0 : i32
        %dma_wait3A_17 = tpu.memref_slice %arg5[%mul3A_11, %dma_wait3A_16] : memref<1024x256xf32, #tpu.memory_space<hbm>> -> memref<64x256xf32, #tpu.memory_space<hbm>>
        tpu.wait_dma2 semaphore(%run_scoped3A : memref<!tpu.dma_semaphore, #tpu.memory_space<semaphore_mem>>) src(%arg7 : memref<64x256xf32, #tpu.memory_space<vmem>>) dst(%dma_wait3A_17 : memref<64x256xf32, #tpu.memory_space<hbm>>)
        tpu.yield
      }) : () -> ()
    } else {
    }
    return
  }
}

module attributes {stable_mosaic.version = 14 : i64} {
  func.func @_dense_body(%arg0: memref<2048x256xf32, #tpu.memory_space<vmem>>, %arg1: memref<2x2048x256xf32, #tpu.memory_space<vmem>>, %arg2: memref<2x2048x16xf32, #tpu.memory_space<vmem>>, %arg3: memref<256x256xf32, #tpu.memory_space<vmem>>, %arg4: memref<256x256xf32, #tpu.memory_space<vmem>>, %arg5: memref<2048x256xf32, #tpu.memory_space<vmem>>) attributes {dimension_semantics = [], scalar_prefetch = 0 : i64, scratch_operands = 0 : i64, tpu.core_type = #tpu.core_type<tc>} {
    %get3A = arith.constant 0 : index
    %get3A_0 = arith.constant 0 : index
    %get3A_1 = arith.constant 0 : index
    %get3A_2 = vector.load %arg1[%get3A, %get3A_0, %get3A_1] : memref<2x2048x256xf32, #tpu.memory_space<vmem>>, vector<1x2048x256xf32>
    %get3A_3 = vector.shape_cast %get3A_2 : vector<1x2048x256xf32> to vector<2048x256xf32>
    %get3A_4 = arith.constant 1 : index
    %get3A_5 = arith.constant 0 : index
    %get3A_6 = arith.constant 0 : index
    %get3A_7 = vector.load %arg1[%get3A_4, %get3A_5, %get3A_6] : memref<2x2048x256xf32, #tpu.memory_space<vmem>>, vector<1x2048x256xf32>
    %get3A_8 = vector.shape_cast %get3A_7 : vector<1x2048x256xf32> to vector<2048x256xf32>
    %add3A = arith.addf %get3A_3, %get3A_8 : vector<2048x256xf32>
    %get3A_9 = arith.constant 0 : index
    %get3A_10 = arith.constant 0 : index
    %get3A_11 = arith.constant 0 : index
    %get3A_12 = vector.load %arg2[%get3A_9, %get3A_10, %get3A_11] : memref<2x2048x16xf32, #tpu.memory_space<vmem>>, vector<1x2048x16xf32>
    %get3A_13 = vector.shape_cast %get3A_12 : vector<1x2048x16xf32> to vector<2048x16xf32>
    %get3A_14 = arith.constant 1 : index
    %get3A_15 = arith.constant 0 : index
    %get3A_16 = arith.constant 0 : index
    %get3A_17 = vector.load %arg2[%get3A_14, %get3A_15, %get3A_16] : memref<2x2048x16xf32, #tpu.memory_space<vmem>>, vector<1x2048x16xf32>
    %get3A_18 = vector.shape_cast %get3A_17 : vector<1x2048x16xf32> to vector<2048x16xf32>
    %add3A_19 = arith.addf %get3A_13, %get3A_18 : vector<2048x16xf32>
    %reduce_sum3A = arith.constant dense<0.000000e+00> : vector<2048xf32>
    %reduce_sum3A_20 = vector.multi_reduction <add>, %add3A_19, %reduce_sum3A [1] : vector<2048x16xf32> to vector<2048xf32>
    %broadcast_in_dim3A = vector.shape_cast %reduce_sum3A_20 : vector<2048xf32> to vector<2048x1xf32>
    %max3A = arith.constant 1.000000e+00 : f32
    %max3A_21 = vector.broadcast %max3A : f32 to vector<2048x1xf32>
    %max3A_22 = arith.maximumf %broadcast_in_dim3A, %max3A_21 : vector<2048x1xf32>
    %div3A = vector.broadcast %max3A_22 : vector<2048x1xf32> to vector<2048x256xf32>
    %div3A_23 = arith.divf %add3A, %div3A : vector<2048x256xf32>
    %get3A_24 = arith.constant 0 : index
    %get3A_25 = arith.constant 0 : index
    %get3A_26 = vector.load %arg0[%get3A_24, %get3A_25] : memref<2048x256xf32, #tpu.memory_space<vmem>>, vector<2048x256xf32>
    %get3A_27 = arith.constant 0 : index
    %get3A_28 = arith.constant 0 : index
    %get3A_29 = vector.load %arg3[%get3A_27, %get3A_28] : memref<256x256xf32, #tpu.memory_space<vmem>>, vector<256x256xf32>
    %dot_general3A = arith.constant dense<0.000000e+00> : vector<2048x256xf32>
    %dot_general3A_30 = tpu.matmul %get3A_26, %get3A_29, %dot_general3A {dimension_numbers = #tpu.dot_dimension_numbers<[1], [0], [0], [1], [0, 0, 1, 1], [], []>, transpose_lhs_hint = false} : vector<2048x256xf32>, vector<256x256xf32>, vector<2048x256xf32> -> vector<2048x256xf32>
    %get3A_31 = arith.constant 0 : index
    %get3A_32 = arith.constant 0 : index
    %get3A_33 = vector.load %arg4[%get3A_31, %get3A_32] : memref<256x256xf32, #tpu.memory_space<vmem>>, vector<256x256xf32>
    %dot_general3A_34 = arith.constant dense<0.000000e+00> : vector<2048x256xf32>
    %dot_general3A_35 = tpu.matmul %div3A_23, %get3A_33, %dot_general3A_34 {dimension_numbers = #tpu.dot_dimension_numbers<[1], [0], [0], [1], [0, 0, 1, 1], [], []>, transpose_lhs_hint = false} : vector<2048x256xf32>, vector<256x256xf32>, vector<2048x256xf32> -> vector<2048x256xf32>
    %add3A_36 = arith.addf %dot_general3A_30, %dot_general3A_35 : vector<2048x256xf32>
    %max3A_37 = arith.constant 0.000000e+00 : f32
    %max3A_38 = vector.broadcast %max3A_37 : f32 to vector<2048x256xf32>
    %max3A_39 = arith.maximumf %add3A_36, %max3A_38 : vector<2048x256xf32>
    %mul3A = arith.mulf %max3A_39, %max3A_39 : vector<2048x256xf32>
    %reduce_sum3A_40 = arith.constant dense<0.000000e+00> : vector<2048xf32>
    %reduce_sum3A_41 = vector.multi_reduction <add>, %mul3A, %reduce_sum3A_40 [1] : vector<2048x256xf32> to vector<2048xf32>
    %broadcast_in_dim3A_42 = vector.shape_cast %reduce_sum3A_41 : vector<2048xf32> to vector<2048x1xf32>
    %sqrt3A = math.sqrt %broadcast_in_dim3A_42 : vector<2048x1xf32>
    %max3A_43 = arith.constant 9.99999996E-13 : f32
    %max3A_44 = vector.broadcast %max3A_43 : f32 to vector<2048x1xf32>
    %max3A_45 = arith.maximumf %sqrt3A, %max3A_44 : vector<2048x1xf32>
    %div3A_46 = vector.broadcast %max3A_45 : vector<2048x1xf32> to vector<2048x256xf32>
    %div3A_47 = arith.divf %max3A_39, %div3A_46 : vector<2048x256xf32>
    %swap3A = arith.constant 0 : index
    %swap3A_48 = arith.constant 0 : index
    %swap3A_49 = vector.load %arg5[%swap3A, %swap3A_48] : memref<2048x256xf32, #tpu.memory_space<vmem>>, vector<2048x256xf32>
    tpu.vector_store %arg5[%swap3A, %swap3A_48], %div3A_47 {strides = array<i32>} : memref<2048x256xf32, #tpu.memory_space<vmem>>, vector<2048x256xf32>,
    return
  }
}

</mosaic_0001>

<sc_bundles>
// kernel: kernel.5.cloned.1.call-start
scs
__scs_entry_jumppad:
0x0: {  	(pc) =	sbr.rel $0x88, $3  }
0x1: {  	(tag) =	ssettag $0x0;
	lr =	simm.s32 $0x1  }
0x2: {  	[smem:$0x3F9B] =	sst lr;
	_ =	strace $0xD0000000  }
0x3: {  	_ = 	snop  }
0x4: {  	_ = 	snop  }
0x5: {  	_ = 	snop  }
0x6: {  	_ = 	snop  }
0x7: {  	_ = 	snop  }
__scs_overlays_trampoline_lowered:
0x8: {  	[smem:$0x3FAA] =	sst s0  }
0x9: {  	[smem:$0x3FAB] =	sst s1  }
0xa: {  	[smem:$0x3FAC] =	sst s2  }
0xb: {  	[smem:$0x3FAD] =	sst s3  }
0xc: {  	[smem:$0x3FAE] =	sst s4  }
0xd: {  	[smem:$0x3FAF] =	sst s5  }
0xe: {  	[smem:$0x3FB0] =	sst s6  }
0xf: {  	[smem:$0x3FB1] =	sst s7  }
0x10: {  	[smem:$0x3FB2] =	sst s8  }
0x11: {  	[smem:$0x3FB3] =	sst s9;
	s0 =	simm.s32 @!p0 $0x0  }
0x12: {  	s1 =	sld [smem:$0x3F99];
	s0 =	simm.s32 @p0 $0x1  }
0x13: {  	[smem:$0x3FB4] =	sst s0;
	s0 =	simm.s32 @!p1 $0x0  }
0x14: {  	s2 =	sld [smem:$0x3F98];
	s0 =	simm.s32 @p1 $0x1  }
0x15: {  	[smem:$0x3FB5] =	sst s0;
	s0 =	simm.s32 @!p2 $0x0  }
0x16: {  	s3 =	sld [smem:$0x3FDB];
	s0 =	simm.s32 @p2 $0x1  }
0x17: {  	s4 =	simm.s32 $0x1BF5;
	[smem:$0x3FB7] =	sst s0  }
0x18: {  	s0 =	sld [smem:$0x3F9A];
	_ =	swait.ge [sflag:s4], $0x0  }
0x19: {  	s7 =	sld [smem:$0x3F9B]  }
0x1a: {  	s8 =	sadd.s32 $0xFFFFE003, lr  }
0x1b: {  	s9 =	sadd.s32 $0xFFFFFEF7, lr;
	s5 =	simm.s32 $0xFFFFFFFF;
	p2 =	slt.u32 s8, $0xFFFFF086  }
0x1c: {  	p1 =	slt.u32 s9, $0xF7A;
	s5 =	simm.s32 @!p2 $0x0  }
0x1d: {  	s5 =	simm.s32 @p1 $0x1;
	p0 =	seq.s32 s7, s2  }
0x1e: {  	s7 =	smul.u32 @!p0 $0xF7A, s2;
	p2 =	seq.s32 @!p0 s5, $0x0  }
0x1f: {  	s9 =	smul.u32 $0xF7A, s1;
	s8 =	simm.s32 @!p0 $0x1BF5;
	p2 =	por !p2, p0  }
0x20: {  	[sflag:s8] =	ssyncset.s32 @!p0 $0xFFFFF086;
	s6 =	sadd.s32 @!p0 s3, s7;
	s7 =	simm.s32 @!p0 $0x108  }
0x21: {  	s3 =	sadd.s32 s3, s9;
	s6 =	sadd.s32 @!p0 $0x88, s6;
	s7 =	simm.s32 @p2 $0x1082  }
0x22: {  	[simem:s7], [sflag:s8] =	dma.local @!p0 [hbm:s6], $0xF7A  }
0x23: {  	s9 =	sor.u32 $0xD0000000, s2;
	s6 =	simm.s32 $0x108;
	_ =	swait.ge @!p0 [sflag:s8], $0x0  }
0x24: {  	s3 =	sadd.s32 $0x88, s3;
	s6 =	simm.s32 @!p1 $0x1082;
	[sflag:s4] =	ssyncset.s32 $0xFFFFF086  }
0x25: {  	[simem:s6], [sflag:s4] =	dma.local [hbm:s3], $0xF7A  }
0x26: {  	[smem:$0x3F9B] =	sst s1;
	(tag) =	ssettag s2;
	_ =	strace s9  }
0x27: {  	s1 =	sld [smem:$0x3FAB]  }
0x28: {  	s2 =	sld [smem:$0x3FAC]  }
0x29: {  	s4 =	sld [smem:$0x3FAE]  }
0x2a: {  	p0 =	seq.s32 s5, $0x0;
	s5 =	sld [smem:$0x3FAF]  }
0x2b: {  	s6 =	sld [smem:$0x3FB0]  }
0x2c: {  	s7 =	sld [smem:$0x3FB1]  }
0x2d: {  	s3 =	simm.s32 $0x108;
	s8 =	sld [smem:$0x3FB2]  }
0x2e: {  	s3 =	simm.s32 @!p0 $0x1082;
	s9 =	sld [smem:$0x3FB3]  }
0x2f: {  	lr =	sadd.s32 s0, s3;
	s0 =	sld [smem:$0x3FAA]  }
0x30: {  	s3 =	sld [smem:$0x3FAD]  }
0x31: {  	[smem:$0x3FB6] =	sst s10  }
0x32: {  	s10 =	sld [smem:$0x3FB4];
	_ =	sdelay $0x3  }
0x33: {  	p0 =	seq.s32 s10, $0x1;
	s10 =	sld [smem:$0x3FB6];
	_ =	sdelay $0x3  }
0x34: {  	[smem:$0x3FB6] =	sst s10  }
0x35: {  	s10 =	sld [smem:$0x3FB5];
	_ =	sdelay $0x3  }
0x36: {  	p1 =	seq.s32 s10, $0x1;
	s10 =	sld [smem:$0x3FB6];
	_ =	sdelay $0x3  }
0x37: {  	[smem:$0x3FB6] =	sst s10  }
0x38: {  	s10 =	sld [smem:$0x3FB7]  }
0x39: {  	_ = 	snop;
	(pc) =	sbr.ind lr, $3  }
0x3a: {  	_ = 	snop  }
0x3b: {  	_ = 	snop  }
0x3c: {  	p2 =	seq.s32 s10, $0x1;
	s10 =	sld [smem:$0x3FB6]  }
0x3d: {  	_ =	shalt  }
0x3e: {  	_ =	shalt  }
0x3f: {  	_ =	shalt  }
0x40: {  	_ =	shalt  }
0x41: {  	_ =	shalt  }
0x42: {  	_ =	shalt  }
0x43: {  	_ =	shalt  }
0x44: {  	_ =	shalt  }
0x45: {  	_ =	shalt  }
0x46: {  	_ =	shalt  }
0x47: {  	_ =	shalt  }
0x48: {  	_ =	shalt  }
0x49: {  	_ =	shalt  }
0x4a: {  	_ =	shalt  }
0x4b: {  	_ =	shalt  }
0x4c: {  	_ =	shalt  }
0x4d: {  	_ =	shalt  }
0x4e: {  	_ =	shalt  }
0x4f: {  	_ =	shalt  }
0x50: {  	_ =	shalt  }
0x51: {  	_ =	shalt  }
0x52: {  	_ =	shalt  }
0x53: {  	_ =	shalt  }
0x54: {  	_ =	shalt  }
0x55: {  	_ =	shalt  }
0x56: {  	_ =	shalt  }
0x57: {  	_ =	shalt  }
0x58: {  	_ =	shalt  }
0x59: {  	_ =	shalt  }
0x5a: {  	_ =	shalt  }
0x5b: {  	_ =	shalt  }
0x5c: {  	_ =	shalt  }
0x5d: {  	_ =	shalt  }
0x5e: {  	_ =	shalt  }
0x5f: {  	_ =	shalt  }
0x60: {  	_ =	shalt  }
0x61: {  	_ =	shalt  }
0x62: {  	_ =	shalt  }
0x63: {  	_ =	shalt  }
0x64: {  	_ =	shalt  }
0x65: {  	_ =	shalt  }
0x66: {  	_ =	shalt  }
0x67: {  	_ =	shalt  }
0x68: {  	_ =	shalt  }
0x69: {  	_ =	shalt  }
0x6a: {  	_ =	shalt  }
0x6b: {  	_ =	shalt  }
0x6c: {  	_ =	shalt  }
0x6d: {  	_ =	shalt  }
0x6e: {  	_ =	shalt  }
0x6f: {  	_ =	shalt  }
0x70: {  	_ =	shalt  }
0x71: {  	_ =	shalt  }
0x72: {  	_ =	shalt  }
0x73: {  	_ =	shalt  }
0x74: {  	_ =	shalt  }
0x75: {  	_ =	shalt  }
0x76: {  	_ =	shalt  }
0x77: {  	_ =	shalt  }
0x78: {  	_ =	shalt  }
0x79: {  	_ =	shalt  }
0x7a: {  	_ =	shalt  }
0x7b: {  	_ =	shalt  }
0x7c: {  	_ =	shalt  }
0x7d: {  	_ =	shalt  }
0x7e: {  	_ =	shalt  }
0x7f: {  	_ =	shalt  }
0x80: {  	_ =	shalt  }
0x81: {  	_ =	shalt  }
0x82: {  	_ =	shalt  }
0x83: {  	_ =	shalt  }
0x84: {  	_ =	shalt  }
0x85: {  	_ =	shalt  }
0x86: {  	_ =	shalt  }
0x87: {  	_ =	shalt  }
.Lfunc_end0:
.L_simem_size_0:
called_computation_lowered:
.L_overlay_start_0:
0x88: {  	s2 =	sld [smem:$0x3FD9]  }
0x89: {  	s3 =	sld [smem:$0x3FFE];
	_ =	sdelay $0x1  }
0x8a: {  	s1 =	srdreg.scid  }
0x8b: {  	s0 =	sand.u32 $0x1, s1  }
0x8c: {  	s14 =	sshll.u32 s0, $0xA;
	s2 =	sadd.s32 s3, s2  }
0x8d: {  	s2 =	sadd.s32 s2, s14  }
0x8e: {  	[smem:$0x3FC2] =	sst s2  }
0x8f: {  	_ = 	snop  }
0x90: {  	s2 =	sld [smem:$0x3FD0];
	_ =	sdelay $0x1  }
0x91: {  	s15 =	sld [smem:$0x3FC7]  }
0x92: {  	s5 =	simm.s32 $0xA;
	s6 =	simm.s32 $0x10;
	s4 =	sld [smem:$0x3FC6]  }
0x93: {  	[smem:s6], [sflag:s5] =	dma.local [hbm:s2], $0x1  }
0x94: {  	_ =	swait.eq [sflag:s5], $0x1  }
0x95: {  	[sflag:s5] =	ssyncset.done $0x0  }
0x96: {  	s16 =	sld [smem:$0x10];
	[sflag:s5] =	ssyncadd.s32 $0xFFFFFFFF  }
0x97: {  	s17 =	sld [smem:$0x11];
	(tm) =	ssettm $0x1  }
0x98: {  	s18 =	sld [smem:$0x3FFB];
	_ =	sdelay $0x3  }
0x99: {  	_ =	strace s18  }
0x9a: {  	s6 =	sld [smem:$0x3FFC];
	_ =	sdelay $0x3  }
0x9b: {  	_ =	strace s6  }
0x9c: {  	s6 =	sld [smem:$0x3FFD];
	_ =	sdelay $0x3  }
0x9d: {  	_ =	strace s6  }
0x9e: {  	_ =	strace $0x8FFFFFFF  }
0x9f: {  	s19 =	sld [smem:$0x3FDB];
	_ =	sdelay $0x1  }
0xa0: {  	s7 =	simm.s32 $_scs_section_size  }
0xa1: {  	s8 =	simm.s32 $_size__tile_overlayer_lowered;
	s9 =	simm.s32 $_tile_overlayer_lowered  }
0xa2: {  	s22 =	simm.s32 $0x1BFF;
	s21 =	sshll.u32 s9, $0x1;
	s6 =	sadd.s32 s7, s19  }
0xa3: {  	s10 =	simm.s32 $0x0;
	s20 =	sshll.u32 s8, $0x1;
	s8 =	sadd.s32 s21, s6  }
0xa4: {  	[timem:s10], [sflag:s22] =	dma.local [hbm:s8], s20  }
0xa5: {  	_ =	swait.ge [sflag:s22], s20  }
0xa6: {  	s7 =	ssub.s32 $0x0, s20;
	[sflag:s22] =	ssyncset.done $0x0  }
0xa7: {  	[sflag:s22] =	ssyncadd.s32 s7;
	_ =	sdelay $0x1  }
0xa8: {  	s23 =	simm.s32 $0x1B8B  }
0xa9: {  	_ =	swait.ge [sflag:s23], $0x1  }
0xaa: {  	[sflag:s23] =	ssyncset.done $0x0  }
0xab: {  	s25 =	simm.s32 $0x1B8E;
	s24 =	sld [smem:$0x3FFE];
	[sflag:s23] =	ssyncadd.s32 $0xFFFFFFFF  }
0xac: {  	s26 =	simm.s32 $execute0_lowered;
	[smem:$0x3FD2] =	sst s25  }
0xad: {  	s8 =	sshll.u32 s26, $0x1;
	_ =	strace $0x80000046;
	[dreg:$0x1] =	wrdreg $0xFFFFFFFF  }
0xae: {  	s28 =	simm.s32 $_size_execute0_lowered;
	s6 =	sadd.s32 s6, s8;
	[dreg:$0x0] =	wrdreg $0x0  }
0xaf: {  	s8 =	sshll.u32 s28, $0x1;
	[dreg:$0x2] =	wrdreg s6  }
0xb0: {  	[dreg:$0x3] =	wrdreg s8  }
0xb1: {  	[dreg:$0x4] =	wrdreg $0xC0  }
0xb2: {  	_ =	task [dreg:s10], $0x5FFFF  }
0xb3: {  	[dreg:$0x1] =	wrdreg $0xFFFFFFFF  }
0xb4: {  	[dreg:$0x0] =	wrdreg $0x60  }
0xb5: {  	[dreg:$0x2] =	wrdreg s24  }
0xb6: {  	[dreg:$0x3] =	wrdreg s15  }
0xb7: {  	[dreg:$0x4] =	wrdreg s4  }
0xb8: {  	[dreg:$0x5] =	wrdreg s17  }
0xb9: {  	[dreg:$0x6] =	wrdreg s16  }
0xba: {  	[dreg:$0x7] =	wrdreg $0x147500  }
0xbb: {  	[dreg:$0x8] =	wrdreg $0x1CB500  }
0xbc: {  	[dreg:$0x9] =	wrdreg $0x9  }
0xbd: {  	_ =	task.clear_ibuf [dreg:s10], $0xAFFFF;
	_ =	strace $0x90000046  }
0xbe: {  	s29 =	simm.s32 $0x9;
	_ =	strace $0x80000048  }
0xbf: {  	_ =	swait.ge [sflag:s29], $0x1  }
0xc0: {  	[sflag:s29] =	ssyncadd.s32 $0xFFFFFFFF  }
0xc1: {  	_ =	strace $0x90000048  }
0xc2: {  	_ =	sfence  }
0xc3: {  	s30 =	sld [smem:$0x0];
	_ =	sdelay $0x2  }
0xc4: {  	s31 =	sshll.u32 s1, $0xD;
	s1 =	sshrl.u32 s1, $0x2  }
0xc5: {  	s3 =	sand.u32 $0x4000, s31;
	s1 =	sadd.s32 s1, s30  }
0xc6: {  	s0 =	sor.u32 s3, s0;
	s1 =	sshll.u32 s1, $0x11  }
0xc7: {  	s0 =	sor.u32 s1, s0  }
0xc8: {  	s0 =	sadd.s32 $0x8F2B, s0  }
0xc9: {  	[sflag:s0] =	ssyncadd.remote.s32 $0x1  }
0xca: {  	_ =	sfence.sel $0xFFFF  }
0xcb: {  	[dreg:$0x0] =	wrdreg $0xFFFFFFFF;
	(pc) =	sbr.abs _section_cstart, $3  }
0xcc: {  	[dreg:$0x1] =	wrdreg $0xFFFFFFFF  }
0xcd: {  	_ =	task.clear_ibuf [dreg:s10], $0x2FFFF;
	_ =	strace $0x9FFFFFFF  }
0xce: {  	(tm) =	ssettm $0x7FFFFFFF  }
0xcf: {  	_ =	shalt  }
tec
execute0_lowered:
.L_overlay_start_1:
0x0: {  	(tag) =	ssettag $0x1  }
0x1: {  	s0 =	rddreg [dreg:$0x0]  }
0x2: {  	s16 =	rddreg [dreg:$0x1]  }
0x3: {  	s21 =	rddreg [dreg:$0x2]  }
0x4: {  	s1 =	rddreg [dreg:$0x3]  }
0x5: {  	s4 =	rddreg [dreg:$0x5]  }
0x6: {  	s5 =	rddreg [dreg:$0x6];
	s2 =	srdreg.scid;
	s7 =	simm.s32 $0x0  }
0x7: {  	s22 =	stileid.u32;
	s28 =	simm.s32 $0x6;
	s29 =	simm.s32 $0x7  }
0x8: {  	s30 =	simm.s32 $0x8110;
	s2 =	sand.u32 $0x1, s2;
	s11 =	smul.u32 $0x18000, s22  }
0x9: {  	[smem:$0x7FF] =	sst s7;
	s18 =	sshll.u32 s22, $0xF;
	s12 =	smul.u32 $0x1800, s22  }
0xa: {  	s13 =	smul.u32 $0x60, s22;
	s24 =	sshll.u32 s22, $0x3;
	s3 =	sshll.u32 s2, $0x4  }
0xb: {  	s8 =	sshll.u32 s2, $0x13;
	_ =	strace $0x80000047;
	s10 =	ssub.s32 $0x2, s2  }
0xc: {  	p0 =	seq.s32 s2, $0x0;
	s2 =	sshll.u32 s2, $0xF;
	s3 =	sor.u32 s22, s3  }
0xd: {  	s9 =	sor.u32 s18, s8;
	s8 =	sadd.s32 $0xB800, s0;
	s31 =	sshrl.u32 s10, $0x1  }
0xe: {  	s11 =	sshrl.u32 s11, $0x2;
	s12 =	sshrl.u32 s12, $0x2;
	s14 =	sadd.s32 $0x600, s13  }
0xf: {  	s6 =	smul.u32 $0x1388, s3;
	s9 =	sshrl.u32 s9, $0x3;
	s26 =	sshll.u32 s3, $0xB  }
0x10: {  	s19 =	ssub.s32 s10, s31;
	s13 =	sadd.s32 s12, s5;
	s15 =	sshll.u32 s14, $0x8  }
0x11: {  	s20 =	sshll.u32 s14, $0x4;
	s17 =	sadd.s32 s9, s0;
	[dreg:$0xb] =	wrdreg s13  }
0x12: {  	s14 =	sadd.s32 s20, s5;
	s20 =	sshll.u32 s22, $0xB;
	s19 =	smax.u32 s19, $0x1  }
0x13: {  	s9 =	simm.s32 $0x2880;
	s6 =	sshrl.u32 s6, $0x3;
	s2 =	sor.u32 s20, s2  }
0x14: {  	s17 =	sadd.s32 $0x69A00, s17;
	s31 =	sadd.s32 s20, s5;
	s6 =	sadd.s32 s6, s0  }
0x15: {  	s0 =	sadd.s32 s26, s0;
	s10 =	sadd.s32 $0x1A00, s6;
	s6 =	sadd.s32 $0x6820, s6  }
0x16: {  	s25 =	sshrl.u32 s2, $0x3;
	[dreg:$0x9] =	wrdreg s6;
	s6 =	sadd.s32 s11, s4  }
0x17: {  	[dreg:$0xa] =	wrdreg s6;
	s6 =	sadd.s32 s15, s4;
	s15 =	sshll.u32 s3, $0x6  }
0x18: {  	s26 =	sadd.s32 s18, s4;
	s18 =	sadd.s32 s1, s25;
	s23 =	sadd.s32 $0xFFFFFC00, s15  }
0x19: {  	s25 =	sshrl.u32 s31, $0x3;
	[dreg:$0xc] =	wrdreg s6;
	s6 =	sshrl.u32 s23, $0x3  }
0x1a: {  	[dreg:$0x8] =	wrdreg s10;
	s15 =	sadd.s32 s21, s6;
	s6 =	sadd.s32 s16, s24  }
0x1b: {  	s10 =	simm.s32 $0x14110;
	s15 =	smov.u32 @p0 s6;
	p0 =	sne.s32 s3, $0x0  }
.Ltmp0:
0x1c: {  	s16 =	sadd.s32 $0x59A00, s0;
	s1 =	simm.s32 @!p0 $0x0;
	(pc) =	sbr.rel .LBB2_1-.Ltmp0, $4  }
0x1d: {  	s24 =	sshrl.u32 s26, $0x3;
	s1 =	simm.s32 @p0 $0x1;
	p0 =	sgt.u32 s22, $0x5  }
0x1e: {  	v0 =	vimm.s32 $0x0;
	v1 =	vimm.s32 $0xFFFFFFFF;
	s26 =	simm.s32 $0x1;
	[smem:$0x7FC] =	sst s1;
	s1 =	simm.s32 @!p0 $0x0  }
0x1f: {  	v2 =	vimm.f32 $0.0e+00;
	v3 =	vlaneseq.u32;
	vm0 =	vcmask $0x300;
	s0 =	simm.s32 $0x14710;
	s3 =	simm.s32 $0x3;
	s1 =	simm.s32 @p0 $0x1  }
0x20: {  	v5 =	vimm.s32 $0x800;
	v4 =	vsel vm0, $0x3F800000, v2;
	vm0 =	vmmov $0xff;
	s22 =	simm.s32 $0x0;
	[smem:$0x7FD] =	sst s1;
	s1 =	simm.s32 $0x2  }
.LBB2_20:
0x21: {  	v6 =	vld @!p4 [tilespmem:s2+$0x0];
	_ =	sdelay $0x4  }
0x22: {  	[tilespmem:$0x80A0] =	vst @!p4 v6  }
0x23: {  	v6 =	vld @!p4 [tilespmem:s6+$0x0];
	_ =	sdelay $0x4  }
0x24: {  	s2 =	simm.s32 @!p4 $0x60;
	s9 =	simm.s32 @!p4 $0xE110;
	s6 =	simm.s32 @!p4 $0x8050;
	[tilespmem:$0x8100] =	vst @!p4 v6  }
0x25: {  	[tilespmem:s9], [sflag:$0x2] =	stream.indirect.gather @!p4 [hbm4b:s8+s2], $0x100, s6, s2, $0xb8;
	[tilespmem:$0x1D390] =	vst v63  }
0x26: {  	p0 =	seq.s32 s23, $0x1;
	s6 =	simm.s32 @!p4 $0x80B0;
	s9 =	simm.s32 @!p4 $0x14110  }
0x27: {  	[spmem:s5] =	stream.indirect.scatter.add.f32 @!p4 [tilespmem:s9], [sflag:$0x6], $0x10, s6, s2, $0xb8;
	[tilespmem:$0x1D390] =	vst v63  }
0x28: {  	s2 =	sand.u32 @!p0 $0x1, s23  }
0x29: {  	p1 =	seq.s32 @!p0 s2, $0x1  }
0x2a: {  	s2 =	simm.s32 @!p0 $0x4;
	p2 =	por !p1, p0  }
0x2b: {  	s2 =	simm.s32 @p2 $0x3  }
0x2c: {  	_ =	swait.ge @!p0 [sflag:s2], $0x6000  }
0x2d: {  	s6 =	simm.s32 @!p0 $0x6;
	[sflag:s2] =	ssyncset.done @!p0 $0x0  }
0x2e: {  	s6 =	simm.s32 @p2 $0x5;
	[sflag:s2] =	ssyncadd.s32 @!p0 $0xFFFFA000  }
0x2f: {  	s2 =	simm.s32 @!p0 $0x3;
	_ =	swait.ge @!p0 [sflag:s6], $0x600  }
0x30: {  	s2 =	simm.s32 @p2 $0x4;
	[sflag:s6] =	ssyncset.done @!p0 $0x0  }
0x31: {  	s2 =	simm.s32 @p0 $0x3;
	[sflag:s6] =	ssyncadd.s32 @!p0 $0xFFFFFA00  }
0x32: {  	s6 =	simm.s32 @!p0 $0x5;
	_ =	swait.ge [sflag:s2], $0x6000  }
0x33: {  	s6 =	simm.s32 @p2 $0x6;
	[sflag:s2] =	ssyncset.done $0x0  }
0x34: {  	s6 =	simm.s32 @p0 $0x5;
	[sflag:s2] =	ssyncadd.s32 $0xFFFFA000  }
0x35: {  	_ =	swait.ge [sflag:s6], $0x600  }
0x36: {  	[sflag:s6] =	ssyncset.done $0x0  }
0x37: {  	s10 =	simm.s32 $0x14110;
	s9 =	simm.s32 $0x2880;
	[sflag:s6] =	ssyncadd.s32 $0xFFFFFA00  }
.LBB2_21:
0x38: {  	s2 =	stileid.u32  }
0x39: {  	[bflag:$0x0] =	sbarrier.arrive $0xFFFF;
	s2 =	sshll.u32 s2, $0x6  }
0x3a: {  	s22 =	sadd.s32 $0x1, s22;
	s6 =	sor.u32 $0x1C01, s2;
	s2 =	sor.u32 $0x1C02, s2  }
0x3b: {  	[hbm:s17], [sflag:s6] =	dma.local [spmem:s24], $0x1000  }
0x3c: {  	[hbm:s18], [sflag:s2] =	dma.local [spmem:s25], $0x100  }
0x3d: {  	p0 =	sne.s32 s22, s19;
	_ =	swait.ge [sflag:s26], $0x1000  }
.Ltmp1:
0x3e: {  	[sflag:s26] =	ssyncset.done $0x0;
	(pc) =	sbr.rel @!p0 .LBB2_22-.Ltmp1, $4  }
0x3f: {  	[sflag:s26] =	ssyncadd.s32 $0xFFFFF000  }
0x40: {  	_ =	swait.ge [sflag:s1], $0x100  }
0x41: {  	[sflag:s1] =	ssyncset.done $0x0  }
0x42: {  	[sflag:s1] =	ssyncadd.s32 $0xFFFFFF00  }
.LBB2_1:
0x43: {  	s2 =	rddreg [dreg:$0x1]  }
0x44: {  	[tilespmem:$0x5790] =	vst v0;
	s13 =	rddreg [dreg:$0x2]  }
0x45: {  	[tilespmem:s9], [sflag:$0x1] =	stream.linear.gather [hbm4b:s2+s7], $0x400, $0x38;
	[tilespmem:$0x1D390] =	vst v63  }
0x46: {  	s6 =	simm.s32 $0x2C80;
	s20 =	rddreg [dreg:$0x8]  }
0x47: {  	[tilespmem:s6], [sflag:$0x6] =	stream.linear.gather [hbm4b:s13+s7], $0x400, $0x38;
	[tilespmem:$0x1D390] =	vst v63  }
0x48: {  	s21 =	simm.s32 $0x3080;
	s23 =	rddreg [dreg:$0x9]  }
0x49: {  	[tilespmem:s21], [sflag:$0x2] =	stream.linear.gather [hbm4b:s20+s7], $0x1388, $0x38;
	[tilespmem:$0x1D390] =	vst v63  }
0x4a: {  	s31 =	simm.s32 $0x4410;
	s2 =	simm.s32 $0x40;
	s6 =	simm.s32 $0x0  }
0x4b: {  	[tilespmem:s31], [sflag:$0x3] =	stream.linear.gather [hbm4b:s23+s7], $0x1388, $0x38;
	[tilespmem:$0x1D390] =	vst v63  }
.LBB2_2:
0x4c: {  	p0 =	sne.s32 s2, $0xA1C0;
	[tilespmem:s6+$0x0] =	vst v1;
	s6 =	smov.u32 s2;
	s2 =	sadd.s32 $0x40, s2  }
.Ltmp2:
0x4d: {  	(pc) =	sbr.rel @p0 .LBB2_2-.Ltmp2, $2  }
0x4e: {  	_ =	sdelay $0x2  }
0x4f: {  	s6 =	sshra.s32 s6, $0x2  }
0x50: {  	s2 =	simm.s32 $0x0  }
0x51: {  	s20 =	sand.u32 $0x1FC00, s2  }
0x52: {  	s21 =	sand.u32 $0xF0, s2;
	s20 =	sshrl.u32 s20, $0x2  }
0x53: {  	[tilespmem:s6+$0x0] =	vst v1;
	s6 =	simm.s32 $0x40;
	s20 =	sor.u32 s21, s20  }
.LBB2_4:
0x54: {  	p0 =	sne.s32 s6, $0x17FC0  }
0x55: {  	[tilespmem:s20+$0x8110] =	vst v2;
	s2 =	sadd.s32 $0x10, s2;
	s20 =	smov.u32 s6;
	s6 =	sadd.s32 $0x40, s6  }
.Ltmp3:
0x56: {  	(pc) =	sbr.rel @p0 .LBB2_4-.Ltmp3, $4  }
0x57: {  	_ = 	snop  }
0x58: {  	s20 =	sand.u32 $0x1FC00, s20  }
0x59: {  	s21 =	sand.u32 $0xF0, s2;
	s20 =	sshrl.u32 s20, $0x2  }
0x5a: {  	s20 =	sor.u32 s21, s20  }
0x5b: {  	[tilespmem:s20+$0x8110] =	vst v2;
	s2 =	simm.s32 $0x40;
	s6 =	simm.s32 $0x0  }
.LBB2_6:
0x5c: {  	p0 =	sne.s32 s2, $0x17C0;
	[tilespmem:s6+$0x14110] =	vst v2;
	s6 =	smov.u32 s2;
	s2 =	sadd.s32 $0x40, s2  }
.Ltmp4:
0x5d: {  	(pc) =	sbr.rel @p0 .LBB2_6-.Ltmp4, $2  }
0x5e: {  	_ =	sdelay $0x2  }
0x5f: {  	s6 =	sshra.s32 s6, $0x2  }
0x60: {  	[tilespmem:s6+$0x14110] =	vst v2  }
0x61: {  	_ =	swait.ge [sflag:s26], $0x400  }
0x62: {  	[sflag:s26] =	ssyncset.done $0x0  }
0x63: {  	[sflag:s26] =	ssyncadd.s32 $0xFFFFFC00  }
0x64: {  	_ =	swait.ge [sflag:s28], $0x400  }
0x65: {  	[sflag:s28] =	ssyncset.done $0x0  }
0x66: {  	s2 =	simm.s32 $0x2880;
	[sflag:s28] =	ssyncadd.s32 $0xFFFFFC00  }
0x67: {  	s6 =	simm.s32 $0x0;
	s20 =	simm.s32 $0x10;
	v6 =	vld [tilespmem:s2+$0x0]  }
.LBB2_8:
0x68: {  	p0 =	sne.s32 s20, $0x7F0;
	_ =	sdelay $0x3  }
.Ltmp5:
0x69: {  	(pc) =	sbr.rel @p0 .LBB2_8-.Ltmp5, $4  }
0x6a: {  	_ = 	snop  }
0x6b: {  	v7 =	vor.u32 s6, v3;
	s6 =	smov.u32 s20  }
0x6c: {  	s2 =	sadd.s32 $0x10, s2;
	[tilespmem:v6+s7+$0x0] =	vst.idx.msk $0xffff, v7  }
0x6d: {  	s20 =	sadd.s32 $0x10, s20;
	v6 =	vld [tilespmem:s2+$0x0]  }
0x6e: {  	s2 =	sld [smem:$0x7FC];
	_ =	sdelay $0x2  }
0x6f: {  	p0 =	seq.s32 s2, $0x1  }
.Ltmp6:
0x70: {  	_ = 	snop;
	(pc) =	sbr.rel @p0 .LBB2_13-.Ltmp6, $3  }
0x71: {  	_ =	sdelay $0x1  }
0x72: {  	v7 =	vor.u32 s6, v3  }
0x73: {  	[tilespmem:v6+s7+$0x0] =	vst.idx.msk $0xffff, v7  }
0x74: {  	s2 =	simm.s32 $0x0;
	s6 =	simm.s32 $0x40  }
.LBB2_11:
0x75: {  	p0 =	sne.s32 s6, $0x1FC0;
	v6 =	vld [tilespmem:s2+$0x2880];
	_ =	sdelay $0x7  }
0x76: {  	v6 =	vld.idx.msk [tilespmem:v6+s7+$0x0], $0xffff;
	_ =	sdelay $0x1  }
.Ltmp7:
0x77: {  	(pc) =	sbr.rel @p0 .LBB2_11-.Ltmp7, $2  }
0x78: {  	_ =	sdelay $0x2  }
0x79: {  	[tilespmem:s2+$0x2880] =	vst v6;
	s2 =	sshra.s32 s6, $0x2;
	s6 =	sadd.s32 $0x40, s6  }
0x7a: {  	v6 =	vld [tilespmem:s2+$0x2880];
	_ =	sdelay $0x7  }
0x7b: {  	v6 =	vld.idx.msk [tilespmem:v6+s7+$0x0], $0xffff;
	_ =	sdelay $0x4  }
0x7c: {  	s31 =	rddreg [dreg:$0x4];
	[tilespmem:s2+$0x2880] =	vst v6  }
0x7d: {  	[hbm4b:s31+s7] =	stream.linear.scatter [tilespmem:s9], [sflag:$0x7], $0x800, $0x38;
	[tilespmem:$0x1D390] =	vst v63  }
0x7e: {  	_ =	swait.ge [sflag:s29], $0x800  }
0x7f: {  	[sflag:s29] =	ssyncset.done $0x0  }
0x80: {  	[sflag:s29] =	ssyncadd.s32 $0xFFFFF800  }
.LBB2_13:
0x81: {  	s2 =	rddreg [dreg:$0xa]  }
0x82: {  	s31 =	sld [smem:$0x7FD]  }
0x83: {  	[spmem:s2] =	stream.linear.scatter [tilespmem:s30], [sflag:$0x4], $0x6000, $0x38;
	[tilespmem:$0x1D390] =	vst v63  }
0x84: {  	s23 =	rddreg [dreg:$0xb]  }
0x85: {  	[spmem:s23] =	stream.linear.scatter [tilespmem:s10], [sflag:$0x5], $0x600, $0x38;
	[tilespmem:$0x1D390] =	vst v63  }
0x86: {  	p0 =	seq.s32 s31, $0x1  }
0x87: {  	s6 =	rddreg [dreg:$0xc];
	s2 =	simm.s32 @!p0 $0x8110  }
0x88: {  	[spmem:s6] =	stream.linear.scatter @!p0 [tilespmem:s2], [sflag:$0x6], $0x6000, $0x38;
	[tilespmem:$0x1D390] =	vst v63  }
0x89: {  	s2 =	simm.s32 @!p0 $0x14110  }
0x8a: {  	[spmem:s14] =	stream.linear.scatter @!p0 [tilespmem:s2], [sflag:$0x1], $0x600, $0x38;
	[tilespmem:$0x1D390] =	vst v63  }
0x8b: {  	s2 =	simm.s32 @!p0 $0x4  }
0x8c: {  	_ =	swait.ge @!p0 [sflag:s2], $0x6000  }
0x8d: {  	[sflag:s2] =	ssyncset.done @!p0 $0x0  }
0x8e: {  	[sflag:s2] =	ssyncadd.s32 @!p0 $0xFFFFA000;
	s2 =	simm.s32 @!p0 $0x5  }
0x8f: {  	_ =	swait.ge @!p0 [sflag:s2], $0x600  }
0x90: {  	s6 =	simm.s32 @!p0 $0x6;
	[sflag:s2] =	ssyncset.done @!p0 $0x0  }
0x91: {  	s6 =	simm.s32 @p0 $0x4;
	[sflag:s2] =	ssyncadd.s32 @!p0 $0xFFFFFA00  }
0x92: {  	_ =	swait.ge [sflag:s6], $0x6000  }
0x93: {  	s2 =	simm.s32 @!p0 $0x1;
	[sflag:s6] =	ssyncset.done $0x0  }
0x94: {  	s2 =	simm.s32 @p0 $0x5;
	[sflag:s6] =	ssyncadd.s32 $0xFFFFA000  }
0x95: {  	_ =	swait.ge [sflag:s2], $0x600  }
0x96: {  	[sflag:s2] =	ssyncset.done $0x0  }
0x97: {  	s6 =	simm.s32 $0x0;
	[sflag:s2] =	ssyncadd.s32 $0xFFFFFA00;
	s2 =	simm.s32 $0x40  }
.LBB2_14:
0x98: {  	p0 =	sne.s32 s2, $0x17C0;
	[tilespmem:s6+$0x14110] =	vst v4;
	s6 =	smov.u32 s2;
	s2 =	sadd.s32 $0x40, s2  }
.Ltmp8:
0x99: {  	(pc) =	sbr.rel @p0 .LBB2_14-.Ltmp8, $2  }
0x9a: {  	_ =	sdelay $0x2  }
0x9b: {  	s6 =	sshra.s32 s6, $0x2  }
0x9c: {  	[tilespmem:s6+$0x14110] =	vst v4  }
0x9d: {  	_ =	swait.ge [sflag:s1], $0x1388  }
0x9e: {  	[sflag:s1] =	ssyncset.done $0x0  }
0x9f: {  	[sflag:s1] =	ssyncadd.s32 $0xFFFFEC78  }
0xa0: {  	_ =	swait.ge [sflag:s3], $0x1388  }
0xa1: {  	[sflag:s3] =	ssyncset.done $0x0  }
0xa2: {  	[sflag:s3] =	ssyncadd.s32 $0xFFFFEC78  }
0xa3: {  	s2 =	simm.s32 $0x0;
	[bflag:$0x0] =	sbarrier.arrive $0xFFFF  }
0xa4: {  	[tilespmem:s0], [sflag:$0x7] =	stream.linear.gather [hbm4b:s15+s2], $0x40, $0x38;
	[tilespmem:$0x1D390] =	vst v63  }
0xa5: {  	_ =	swait.ge [sflag:s29], $0x40  }
0xa6: {  	[sflag:s29] =	ssyncset.done $0x0  }
0xa7: {  	s23 =	simm.s32 $0x40;
	[sflag:s29] =	ssyncadd.s32 $0xFFFFFFC0  }
0xa8: {  	[tilespmem:s30], [sflag:$0x7] =	stream.indirect.gather [hbm4b:s8+s23], $0x100, s0, s23, $0xb8;
	[tilespmem:$0x1D390] =	vst v63  }
0xa9: {  	_ =	swait.ge [sflag:s29], $0x4000  }
0xaa: {  	[sflag:s29] =	ssyncset.done $0x0  }
0xab: {  	[sflag:s29] =	ssyncadd.s32 $0xFFFFC000  }
0xac: {  	[hbm4b:s16+s2] =	stream.linear.scatter [tilespmem:s30], [sflag:$0x7], $0x4000, $0x38;
	[tilespmem:$0x1D390] =	vst v63  }
0xad: {  	_ =	swait.ge [sflag:s29], $0x4000  }
0xae: {  	[sflag:s29] =	ssyncset.done $0x0  }
0xaf: {  	s31 =	simm.s32 $0x0;
	[sflag:s29] =	ssyncadd.s32 $0xFFFFC000  }
0xb0: {  	v6 =	vld [tilespmem:s31+$0x4410];
	_ =	sdelay $0x7  }
0xb1: {  	v6 =	vld.idx.msk [tilespmem:v6+s7+$0x0], $0xffff;
	_ =	sdelay $0x2  }
0xb2: {  	v7 =	vld [tilespmem:s31+$0x3080];
	_ =	sdelay $0x1  }
0xb3: {  	vm1 =	vgt.s32 v6, $0xFFFFFFFF  }
0xb4: {  	v8 =	vmpcnt.ones.xlane vm1  }
0xb5: {  	[tilespmem:s2+$0x57A0] =	vst.msk vm1, v6  }
0xb6: {  	s20 =	simm.s32 $0x10;
	s6 =	simm.s32 $0x80;
	[tilespmem:s2+$0x6B98] =	vst.msk vm1, v7;
	(v2sf) =	vpush v8, $0x0  }
.LBB2_16:
0xb7: {  	p2 =	sne.s32 s6, $0x4DC0;
	v6 =	vld [tilespmem:s20+$0x4410];
	_ =	sdelay $0x7  }
0xb8: {  	v6 =	vld.idx.msk [tilespmem:v6+s7+$0x0], $0xffff;
	_ =	sdelay $0x3  }
0xb9: {  	v7 =	vld [tilespmem:s20+$0x3080]  }
.Ltmp9:
0xba: {  	(pc) =	sbr.rel @p2 .LBB2_16-.Ltmp9, $4  }
0xbb: {  	vm1 =	vgt.s32 v6, $0xFFFFFFFF;
	s20 =	spop (v2sf)  }
0xbc: {  	v8 =	vmpcnt.ones.xlane vm1;
	s2 =	sadd.s32 s2, s20  }
0xbd: {  	[tilespmem:s2+$0x57A0] =	vst.msk vm1, v6  }
0xbe: {  	s20 =	sshra.s32 s6, $0x2;
	s6 =	sadd.s32 $0x40, s6;
	[tilespmem:s2+$0x6B98] =	vst.msk vm1, v7;
	(v2sf) =	vpush v8, $0x0  }
0xbf: {  	_ =	sdelay $0x1  }
0xc0: {  	v6 =	vld [tilespmem:s20+$0x4410];
	_ =	sdelay $0x7  }
0xc1: {  	v6 =	vld.idx.msk [tilespmem:v6+s7+$0x0], $0xffff;
	_ =	sdelay $0x1  }
0xc2: {  	v7 =	vld [tilespmem:s20+$0x3080];
	_ =	sdelay $0x1  }
0xc3: {  	s6 =	spop (v2sf)  }
0xc4: {  	vm1 =	vgt.s32 v6, $0xFFFFFFFF;
	s2 =	sadd.s32 s2, s6  }
0xc5: {  	[tilespmem:s2+$0x57A0] =	vst.msk vm1, v6  }
0xc6: {  	[tilespmem:s2+$0x6B98] =	vst.msk vm1, v7  }
0xc7: {  	v6 =	vld [tilespmem:$0x5790];
	_ =	sdelay $0x7  }
0xc8: {  	v6 =	vld.idx.msk [tilespmem:v6+s7+$0x0], $0xffff;
	_ =	sdelay $0x4  }
0xc9: {  	v7 =	vmpcnt.ones.xlane vm1;
	vm1 =	vgt.s32 v6, $0xFFFFFFFF  }
0xca: {  	vm1 =	vmand vm1, vm0  }
0xcb: {  	(v2sf) =	vpush v7, $0x0;
	v7 =	vmpcnt.ones.xlane vm1;
	_ =	sdelay $0x1  }
0xcc: {  	(v2sf) =	vpush v7, $0x0;
	_ =	sdelay $0xd  }
0xcd: {  	s11 =	spop (v2sf)  }
0xce: {  	s2 =	sadd.s32 s2, s11;
	s12 =	spop (v2sf)  }
0xcf: {  	[tilespmem:s2+$0x57A0] =	vst.msk vm1, v6;
	s6 =	sadd.s32 s2, s12  }
0xd0: {  	v6 =	vld [tilespmem:$0x4400];
	s13 =	sadd.s32 $0x5F, s6  }
0xd1: {  	s21 =	smulhi.u32 $0x2AAAAAAB, s13;
	s23 =	sshra.s32 s13, $0x1F  }
0xd2: {  	s23 =	smul.u32 $0x2AAAAAAB, s23;
	_ =	sdelay $0x1  }
0xd3: {  	s23 =	sadd.s32 s23, s21  }
0xd4: {  	[tilespmem:s2+$0x6B98] =	vst.msk vm1, v6;
	s21 =	sshrl.u32 s23, $0x1F;
	s2 =	sshra.s32 s23, $0x4  }
0xd5: {  	s2 =	sadd.s32 s21, s2  }
0xd6: {  	s21 =	smul.u32 $0xFFFFFFA0, s2  }
0xd7: {  	[tilespmem:s6+$0x57A0] =	vst v5;
	s31 =	ssub.s32 $0xFFFFFFA1, s6  }
0xd8: {  	[tilespmem:s6+$0x6B98] =	vst v0;
	p0 =	slt.s32 s13, $0x1;
	p2 =	sne.s32 s21, s31  }
0xd9: {  	[tilespmem:s6+$0x57B0] =	vst v5;
	p0 =	por !p0, !p2  }
0xda: {  	s20 =	simm.s32 $0x1;
	[tilespmem:s6+$0x6BA8] =	vst v0;
	p0 =	por !p0, !p0  }
0xdb: {  	[tilespmem:s6+$0x57C0] =	vst v5;
	s20 =	simm.s32 @!p0 $0x0  }
0xdc: {  	[tilespmem:s6+$0x6BB8] =	vst v0;
	s23 =	ssub.s32 s2, s20  }
0xdd: {  	[tilespmem:s6+$0x57D0] =	vst v5;
	p0 =	slt.s32 s23, $0x1  }
.Ltmp10:
0xde: {  	[tilespmem:s6+$0x6BC8] =	vst v0;
	(pc) =	sbr.rel @p0 .LBB2_21-.Ltmp10, $4  }
0xdf: {  	[tilespmem:s6+$0x57E0] =	vst v5  }
0xe0: {  	[tilespmem:s6+$0x6BD8] =	vst v0  }
0xe1: {  	[tilespmem:s6+$0x57F0] =	vst v5  }
0xe2: {  	[tilespmem:s6+$0x6BE8] =	vst v0  }
0xe3: {  	v6 =	vld [tilespmem:$0x6B98]  }
0xe4: {  	v7 =	vld [tilespmem:$0x57A0]  }
0xe5: {  	v8 =	vld [tilespmem:$0x6BA8]  }
0xe6: {  	v9 =	vld [tilespmem:$0x57B0]  }
0xe7: {  	v10 =	vld [tilespmem:$0x6BB8]  }
0xe8: {  	[tilespmem:$0x7F90] =	vst v6;
	v6 =	vld [tilespmem:$0x57C0]  }
0xe9: {  	[tilespmem:$0x7FF0] =	vst v7;
	v7 =	vld [tilespmem:$0x6BC8]  }
0xea: {  	v61 =	vld [tilespmem:$0x57D0];
	[tilespmem:$0x7FA0] =	vst v8  }
0xeb: {  	v62 =	vld [tilespmem:$0x6BD8];
	[tilespmem:$0x8000] =	vst v9  }
0xec: {  	v63 =	vld [tilespmem:$0x57E0];
	[tilespmem:$0x7FB0] =	vst v10  }
0xed: {  	[tilespmem:$0x8010] =	vst v6;
	v6 =	vld [tilespmem:$0x6BE8]  }
0xee: {  	[tilespmem:$0x7FC0] =	vst v7;
	v7 =	vld [tilespmem:$0x57F0]  }
0xef: {  	[tilespmem:$0x8020] =	vst v61  }
0xf0: {  	[tilespmem:$0x7FD0] =	vst v62  }
0xf1: {  	p2 =	por $0x0, $0x0;
	[tilespmem:$0x8030] =	vst v63  }
0xf2: {  	p0 =	sle.s32 @p2 s23, $0x1;
	[tilespmem:$0x7FE0] =	vst v6  }
0xf3: {  	s2 =	simm.s32 $0x60;
	s6 =	simm.s32 $0x7F90;
	p3 =	por p0, !p2;
	[tilespmem:$0x8040] =	vst v7  }
0xf4: {  	[tilespmem:s30], [sflag:$0x1] =	stream.indirect.gather [hbm4b:s8+s2], $0x100, s6, s2, $0xb8;
	[tilespmem:$0x1D390] =	vst v63  }
0xf5: {  	s31 =	simm.s32 $0x7FF0;
	p4 =	por @!p3 $0x1, $0x1  }
0xf6: {  	[spmem:s5] =	stream.indirect.scatter.add.f32 [tilespmem:s10], [sflag:$0x5], $0x10, s31, s2, $0xb8;
	[tilespmem:$0x1D390] =	vst v63  }
0xf7: {  	p0 =	por @p2 p4, p0;
	s2 =	simm.s32 @p2 $0x2  }
0xf8: {  	p0 =	por p0, !p2;
	_ =	swait.ge @p2 [sflag:s2], $0x6000  }
0xf9: {  	s20 =	simm.s32 @p2 $0x80B0;
	s21 =	simm.s32 @!p0 $0x3;
	[sflag:s2] =	ssyncset.done @p2 $0x0  }
0xfa: {  	s6 =	simm.s32 @p2 $0x60;
	[sflag:s2] =	ssyncadd.s32 @p2 $0xFFFFA000;
	s2 =	simm.s32 @p2 $0xE110  }
0xfb: {  	[spmem:s4] =	stream.indirect.scatter.add.f32 @p2 [tilespmem:s2], [sflag:$0x4], $0x100, s20, s6, $0xb8;
	[tilespmem:$0x1D390] =	vst v63  }
0xfc: {  	_ =	swait.ge @!p0 [sflag:s21], $0x6000  }
0xfd: {  	[sflag:s21] =	ssyncset.done @!p0 $0x0  }
0xfe: {  	s6 =	simm.s32 @!p0 $0x5;
	[sflag:s21] =	ssyncadd.s32 @!p0 $0xFFFFA000  }
0xff: {  	_ =	swait.ge @!p0 [sflag:s6], $0x600  }
0x100: {  	[sflag:s6] =	ssyncset.done @!p0 $0x0  }
0x101: {  	s2 =	simm.s32 $0x6C48;
	[sflag:s6] =	ssyncadd.s32 @!p0 $0xFFFFFA00  }
0x102: {  	v6 =	vld @!p3 [tilespmem:s2+$0xFFFFFFB0];
	_ =	sdelay $0x4  }
0x103: {  	s6 =	simm.s32 $0x5850;
	[tilespmem:$0x7F90] =	vst @!p3 v6  }
0x104: {  	v6 =	vld @!p3 [tilespmem:s6+$0xFFFFFFB0];
	_ =	sdelay $0x4  }
0x105: {  	[tilespmem:$0x7FF0] =	vst @!p3 v6  }
0x106: {  	v6 =	vld @!p3 [tilespmem:s2+$0xFFFFFFC0];
	_ =	sdelay $0x4  }
0x107: {  	[tilespmem:$0x7FA0] =	vst @!p3 v6  }
0x108: {  	v6 =	vld @!p3 [tilespmem:s6+$0xFFFFFFC0];
	_ =	sdelay $0x4  }
0x109: {  	[tilespmem:$0x8000] =	vst @!p3 v6  }
0x10a: {  	v6 =	vld @!p3 [tilespmem:s2+$0xFFFFFFD0];
	_ =	sdelay $0x4  }
0x10b: {  	[tilespmem:$0x7FB0] =	vst @!p3 v6  }
0x10c: {  	v6 =	vld @!p3 [tilespmem:s6+$0xFFFFFFD0];
	_ =	sdelay $0x4  }
0x10d: {  	[tilespmem:$0x8010] =	vst @!p3 v6  }
0x10e: {  	v6 =	vld @!p3 [tilespmem:s2+$0xFFFFFFE0];
	_ =	sdelay $0x4  }
0x10f: {  	[tilespmem:$0x7FC0] =	vst @!p3 v6  }
0x110: {  	v6 =	vld @!p3 [tilespmem:s6+$0xFFFFFFE0];
	_ =	sdelay $0x4  }
0x111: {  	[tilespmem:$0x8020] =	vst @!p3 v6  }
0x112: {  	v6 =	vld @!p3 [tilespmem:s2+$0xFFFFFFF0];
	_ =	sdelay $0x4  }
0x113: {  	[tilespmem:$0x7FD0] =	vst @!p3 v6  }
0x114: {  	v6 =	vld @!p3 [tilespmem:s6+$0xFFFFFFF0];
	_ =	sdelay $0x4  }
0x115: {  	[tilespmem:$0x8030] =	vst @!p3 v6  }
0x116: {  	v6 =	vld @!p3 [tilespmem:s2+$0x0];
	_ =	sdelay $0x4  }
0x117: {  	[tilespmem:$0x7FE0] =	vst @!p3 v6  }
0x118: {  	v6 =	vld @!p3 [tilespmem:s6+$0x0];
	_ =	sdelay $0x2  }
0x119: {  	p0 =	sle.s32 @!p2 s23, $0x1  }
0x11a: {  	s9 =	simm.s32 @!p3 $0x7FF0;
	s31 =	simm.s32 @!p3 $0x8110;
	p4 =	por p0, p2  }
0x11b: {  	s20 =	simm.s32 @!p3 $0x60;
	s21 =	simm.s32 @!p3 $0x7F90;
	p5 =	por @!p4 $0x1, $0x1;
	[tilespmem:$0x8040] =	vst @!p3 v6  }
0x11c: {  	[tilespmem:s31], [sflag:$0x1] =	stream.indirect.gather @!p3 [hbm4b:s8+s20], $0x100, s21, s20, $0xb8;
	[tilespmem:$0x1D390] =	vst v63  }
0x11d: {  	p0 =	por @!p2 p5, p0;
	s21 =	simm.s32 @!p3 $0x14110;
	s31 =	simm.s32 @!p2 $0x1  }
0x11e: {  	[spmem:s5] =	stream.indirect.scatter.add.f32 @!p3 [tilespmem:s21], [sflag:$0x5], $0x10, s9, s20, $0xb8;
	[tilespmem:$0x1D390] =	vst v63  }
0x11f: {  	p0 =	por p0, p2;
	_ =	swait.ge @!p2 [sflag:s31], $0x6000  }
0x120: {  	s9 =	simm.s32 @!p2 $0x8110;
	s20 =	simm.s32 @!p2 $0x60;
	[sflag:s31] =	ssyncset.done @!p2 $0x0  }
0x121: {  	s21 =	simm.s32 @!p2 $0x7FF0;
	[sflag:s31] =	ssyncadd.s32 @!p2 $0xFFFFA000;
	s31 =	simm.s32 @!p0 $0x4  }
0x122: {  	[spmem:s4] =	stream.indirect.scatter.add.f32 @!p2 [tilespmem:s9], [sflag:$0x3], $0x100, s21, s20, $0xb8;
	[tilespmem:$0x1D390] =	vst v63  }
0x123: {  	_ =	swait.ge @!p0 [sflag:s31], $0x6000  }
0x124: {  	[sflag:s31] =	ssyncset.done @!p0 $0x0  }
0x125: {  	s9 =	simm.s32 @!p0 $0x6;
	[sflag:s31] =	ssyncadd.s32 @!p0 $0xFFFFA000  }
0x126: {  	_ =	swait.ge @!p0 [sflag:s9], $0x600  }
0x127: {  	[sflag:s9] =	ssyncset.done @!p0 $0x0  }
0x128: {  	[sflag:s9] =	ssyncadd.s32 @!p0 $0xFFFFFA00  }
0x129: {  	v6 =	vld @!p4 [tilespmem:s2+$0xFFFFFFB0];
	_ =	sdelay $0x4  }
0x12a: {  	[tilespmem:$0x8050] =	vst @!p4 v6  }
0x12b: {  	v6 =	vld @!p4 [tilespmem:s6+$0xFFFFFFB0];
	_ =	sdelay $0x4  }
0x12c: {  	[tilespmem:$0x80B0] =	vst @!p4 v6  }
0x12d: {  	v6 =	vld @!p4 [tilespmem:s2+$0xFFFFFFC0];
	_ =	sdelay $0x4  }
0x12e: {  	[tilespmem:$0x8060] =	vst @!p4 v6  }
0x12f: {  	v6 =	vld @!p4 [tilespmem:s6+$0xFFFFFFC0];
	_ =	sdelay $0x4  }
0x130: {  	[tilespmem:$0x80C0] =	vst @!p4 v6  }
0x131: {  	v6 =	vld @!p4 [tilespmem:s2+$0xFFFFFFD0];
	_ =	sdelay $0x4  }
0x132: {  	[tilespmem:$0x8070] =	vst @!p4 v6  }
0x133: {  	v6 =	vld @!p4 [tilespmem:s6+$0xFFFFFFD0];
	_ =	sdelay $0x4  }
0x134: {  	[tilespmem:$0x80D0] =	vst @!p4 v6  }
0x135: {  	v6 =	vld @!p4 [tilespmem:s2+$0xFFFFFFE0];
	_ =	sdelay $0x4  }
0x136: {  	[tilespmem:$0x8080] =	vst @!p4 v6  }
0x137: {  	v6 =	vld @!p4 [tilespmem:s6+$0xFFFFFFE0];
	_ =	sdelay $0x4  }
0x138: {  	[tilespmem:$0x80E0] =	vst @!p4 v6  }
0x139: {  	v6 =	vld @!p4 [tilespmem:s2+$0xFFFFFFF0];
	_ =	sdelay $0x4  }
0x13a: {  	[tilespmem:$0x8090] =	vst @!p4 v6  }
0x13b: {  	p0 =	sne.s32 s23, $0x1;
	v6 =	vld @!p4 [tilespmem:s6+$0xFFFFFFF0]  }
.Ltmp11:
0x13c: {  	_ = 	snop;
	(pc) =	sbr.rel @!p0 .LBB2_20-.Ltmp11, $2  }
0x13d: {  	_ =	sdelay $0x2  }
0x13e: {  	s21 =	simm.s32 $0x1;
	[tilespmem:$0x80F0] =	vst @!p4 v6  }
.LBB2_19:
0x13f: {  	v6 =	vld @!p4 [tilespmem:s2+$0x0];
	p2 =	por !p2, !p2;
	s20 =	smov.u32 s21;
	s21 =	sadd.s32 $0x1, s21  }
0x140: {  	p0 =	sge.s32 @p2 s21, s23;
	p6 =	sge.s32 @!p2 s21, s23;
	p3 =	sne.s32 s23, s21  }
0x141: {  	_ = 	snop  }
0x142: {  	p5 =	por p0, !p2  }
0x143: {  	p1 =	seq.s32 @!p5 s20, $0x0  }
0x144: {  	p0 =	por @p2 p1, p0;
	[tilespmem:$0x80A0] =	vst @!p4 v6  }
0x145: {  	v6 =	vld @!p4 [tilespmem:s6+$0x0];
	_ =	sdelay $0x2  }
0x146: {  	s9 =	simm.s32 @!p4 $0x60;
	s31 =	simm.s32 @!p4 $0x8050;
	s10 =	simm.s32 @!p4 $0xE110  }
0x147: {  	s2 =	sadd.s32 $0x60, s2  }
0x148: {  	s12 =	simm.s32 @!p4 $0x80B0;
	s13 =	simm.s32 @!p4 $0x14110;
	s11 =	simm.s32 @p2 $0x2;
	[tilespmem:$0x8100] =	vst @!p4 v6  }
0x149: {  	[tilespmem:s10], [sflag:$0x2] =	stream.indirect.gather @!p4 [hbm4b:s8+s9], $0x100, s31, s9, $0xb8;
	[tilespmem:$0x1D390] =	vst v63  }
0x14a: {  	p0 =	por p0, !p2;
	s10 =	simm.s32 @p2 $0x60  }
0x14b: {  	[spmem:s5] =	stream.indirect.scatter.add.f32 @!p4 [tilespmem:s13], [sflag:$0x6], $0x10, s12, s9, $0xb8;
	[tilespmem:$0x1D390] =	vst v63  }
0x14c: {  	s9 =	simm.s32 @p2 $0x80B0;
	s12 =	simm.s32 @!p0 $0x3;
	_ =	swait.ge @p2 [sflag:s11], $0x6000  }
0x14d: {  	[sflag:s11] =	ssyncset.done @p2 $0x0  }
0x14e: {  	s6 =	sadd.s32 $0x60, s6;
	[sflag:s11] =	ssyncadd.s32 @p2 $0xFFFFA000;
	s11 =	simm.s32 @p2 $0xE110  }
0x14f: {  	[spmem:s4] =	stream.indirect.scatter.add.f32 @p2 [tilespmem:s11], [sflag:$0x4], $0x100, s9, s10, $0xb8;
	[tilespmem:$0x1D390] =	vst v63  }
0x150: {  	_ =	swait.ge @!p0 [sflag:s12], $0x6000  }
0x151: {  	[sflag:s12] =	ssyncset.done @!p0 $0x0  }
0x152: {  	s9 =	simm.s32 @!p0 $0x5;
	[sflag:s12] =	ssyncadd.s32 @!p0 $0xFFFFA000  }
0x153: {  	_ =	swait.ge @!p0 [sflag:s9], $0x600  }
0x154: {  	[sflag:s9] =	ssyncset.done @!p0 $0x0  }
0x155: {  	[sflag:s9] =	ssyncadd.s32 @!p0 $0xFFFFFA00  }
0x156: {  	v6 =	vld @!p5 [tilespmem:s2+$0xFFFFFFB0];
	_ =	sdelay $0x4  }
0x157: {  	[tilespmem:$0x7F90] =	vst @!p5 v6  }
0x158: {  	v6 =	vld @!p5 [tilespmem:s6+$0xFFFFFFB0];
	_ =	sdelay $0x4  }
0x159: {  	[tilespmem:$0x7FF0] =	vst @!p5 v6  }
0x15a: {  	v6 =	vld @!p5 [tilespmem:s2+$0xFFFFFFC0];
	_ =	sdelay $0x4  }
0x15b: {  	[tilespmem:$0x7FA0] =	vst @!p5 v6  }
0x15c: {  	v6 =	vld @!p5 [tilespmem:s6+$0xFFFFFFC0];
	_ =	sdelay $0x4  }
0x15d: {  	[tilespmem:$0x8000] =	vst @!p5 v6  }
0x15e: {  	v6 =	vld @!p5 [tilespmem:s2+$0xFFFFFFD0];
	_ =	sdelay $0x4  }
0x15f: {  	[tilespmem:$0x7FB0] =	vst @!p5 v6  }
0x160: {  	v6 =	vld @!p5 [tilespmem:s6+$0xFFFFFFD0];
	_ =	sdelay $0x4  }
0x161: {  	[tilespmem:$0x8010] =	vst @!p5 v6  }
0x162: {  	v6 =	vld @!p5 [tilespmem:s2+$0xFFFFFFE0];
	_ =	sdelay $0x4  }
0x163: {  	[tilespmem:$0x7FC0] =	vst @!p5 v6  }
0x164: {  	v6 =	vld @!p5 [tilespmem:s6+$0xFFFFFFE0];
	_ =	sdelay $0x4  }
0x165: {  	[tilespmem:$0x8020] =	vst @!p5 v6  }
0x166: {  	v6 =	vld @!p5 [tilespmem:s2+$0xFFFFFFF0];
	_ =	sdelay $0x4  }
0x167: {  	[tilespmem:$0x7FD0] =	vst @!p5 v6  }
0x168: {  	v6 =	vld @!p5 [tilespmem:s6+$0xFFFFFFF0];
	_ =	sdelay $0x4  }
0x169: {  	[tilespmem:$0x8030] =	vst @!p5 v6  }
0x16a: {  	v6 =	vld @!p5 [tilespmem:s2+$0x0];
	_ =	sdelay $0x3  }
0x16b: {  	s10 =	simm.s32 @!p5 $0x7F90;
	s11 =	simm.s32 @!p5 $0x8110;
	s9 =	simm.s32 @!p5 $0x60  }
0x16c: {  	s13 =	simm.s32 @!p5 $0x14110;
	s12 =	simm.s32 @!p5 $0x7FF0;
	[tilespmem:$0x7FE0] =	vst @!p5 v6  }
0x16d: {  	v6 =	vld @!p5 [tilespmem:s6+$0x0];
	_ =	sdelay $0x2  }
0x16e: {  	p4 =	por p6, p2  }
0x16f: {  	p0 =	seq.s32 @!p4 s20, $0x0  }
0x170: {  	s20 =	simm.s32 @!p2 $0x1;
	p0 =	por @!p2 p0, p6;
	[tilespmem:$0x8040] =	vst @!p5 v6  }
0x171: {  	[tilespmem:s11], [sflag:$0x1] =	stream.indirect.gather @!p5 [hbm4b:s8+s9], $0x100, s10, s9, $0xb8;
	[tilespmem:$0x1D390] =	vst v63  }
0x172: {  	p0 =	por p0, p2;
	s10 =	simm.s32 @!p2 $0x8110  }
0x173: {  	[spmem:s5] =	stream.indirect.scatter.add.f32 @!p5 [tilespmem:s13], [sflag:$0x5], $0x10, s12, s9, $0xb8;
	[tilespmem:$0x1D390] =	vst v63  }
0x174: {  	s11 =	simm.s32 @!p2 $0x7FF0;
	s9 =	simm.s32 @!p2 $0x60;
	_ =	swait.ge @!p2 [sflag:s20], $0x6000  }
0x175: {  	[sflag:s20] =	ssyncset.done @!p2 $0x0  }
0x176: {  	s12 =	simm.s32 @!p0 $0x4;
	s13 =	simm.s32 @!p0 $0x6;
	[sflag:s20] =	ssyncadd.s32 @!p2 $0xFFFFA000  }
0x177: {  	[spmem:s4] =	stream.indirect.scatter.add.f32 @!p2 [tilespmem:s10], [sflag:$0x3], $0x100, s11, s9, $0xb8;
	[tilespmem:$0x1D390] =	vst v63  }
0x178: {  	_ =	swait.ge @!p0 [sflag:s12], $0x6000  }
0x179: {  	[sflag:s12] =	ssyncset.done @!p0 $0x0  }
0x17a: {  	[sflag:s12] =	ssyncadd.s32 @!p0 $0xFFFFA000  }
0x17b: {  	_ =	swait.ge @!p0 [sflag:s13], $0x600  }
0x17c: {  	[sflag:s13] =	ssyncset.done @!p0 $0x0  }
0x17d: {  	[sflag:s13] =	ssyncadd.s32 @!p0 $0xFFFFFA00  }
0x17e: {  	v6 =	vld @!p4 [tilespmem:s2+$0xFFFFFFB0];
	_ =	sdelay $0x4  }
0x17f: {  	[tilespmem:$0x8050] =	vst @!p4 v6  }
0x180: {  	v6 =	vld @!p4 [tilespmem:s6+$0xFFFFFFB0];
	_ =	sdelay $0x4  }
0x181: {  	[tilespmem:$0x80B0] =	vst @!p4 v6  }
0x182: {  	v6 =	vld @!p4 [tilespmem:s2+$0xFFFFFFC0];
	_ =	sdelay $0x4  }
0x183: {  	[tilespmem:$0x8060] =	vst @!p4 v6  }
0x184: {  	v6 =	vld @!p4 [tilespmem:s6+$0xFFFFFFC0];
	_ =	sdelay $0x4  }
0x185: {  	[tilespmem:$0x80C0] =	vst @!p4 v6  }
0x186: {  	v6 =	vld @!p4 [tilespmem:s2+$0xFFFFFFD0];
	_ =	sdelay $0x4  }
0x187: {  	[tilespmem:$0x8070] =	vst @!p4 v6  }
0x188: {  	v6 =	vld @!p4 [tilespmem:s6+$0xFFFFFFD0];
	_ =	sdelay $0x4  }
0x189: {  	[tilespmem:$0x80D0] =	vst @!p4 v6  }
0x18a: {  	v6 =	vld @!p4 [tilespmem:s2+$0xFFFFFFE0];
	_ =	sdelay $0x4  }
0x18b: {  	[tilespmem:$0x8080] =	vst @!p4 v6  }
0x18c: {  	v6 =	vld @!p4 [tilespmem:s6+$0xFFFFFFE0];
	_ =	sdelay $0x4  }
0x18d: {  	[tilespmem:$0x80E0] =	vst @!p4 v6  }
0x18e: {  	v6 =	vld @!p4 [tilespmem:s2+$0xFFFFFFF0];
	_ =	sdelay $0x4  }
0x18f: {  	[tilespmem:$0x8090] =	vst @!p4 v6  }
0x190: {  	v6 =	vld @!p4 [tilespmem:s6+$0xFFFFFFF0]  }
.Ltmp12:
0x191: {  	(pc) =	sbr.rel @p3 .LBB2_19-.Ltmp12, $2  }
0x192: {  	_ =	sdelay $0x2  }
0x193: {  	[tilespmem:$0x80F0] =	vst @!p4 v6  }
.Ltmp13:
0x194: {  	_ = 	snop;
	(pc) =	sbr.rel .LBB2_20-.Ltmp13, $1  }
0x195: {  	_ =	sdelay $0x3  }
.LBB2_22:
0x196: {  	_ =	sfence.sel $0x180000  }
0x197: {  	[bflag:$0x0] =	sbarrier.arrive $0xFFFF  }
0x198: {  	_ =	strace $0x90000047  }
0x199: {  	s0 =	stileid.u32;
	[bflag:$0x2] =	sbarrier.arrive $0xFFFF  }
0x19a: {  	p0 =	sne.s32 s0, $0x0;
	s0 =	rddreg [dreg:$0x7]  }
0x19b: {  	s0 =	sadd.s32 @!p0 $0x100000, s0  }
0x19c: {  	[sflag:s0] =	ssyncadd.tile.s32 @!p0 $0x1;
	_ =	shalt  }
.Lfunc_end2:
_tile_overlayer_lowered:
.L_overlay_start_2:
0x19d: {  	(tag) =	ssettag $0x2  }
0x19e: {  	s0 =	rddreg [dreg:$0x0];
	s2 =	stileid.u32  }
0x19f: {  	s1 =	rddreg [dreg:$0x1];
	p0 =	sne.s32 s2, $0x0  }
0x1a0: {  	s3 =	rddreg [dreg:$0x2];
	[bflag:$0x3] =	sbarrier.arrive $0xFFFF;
	s2 =	simm.s32 @!p0 $0x1C07  }
0x1a1: {  	[timem:s3], [sflag:s2] =	dma.local @!p0 [hbm:s0], s1  }
0x1a2: {  	s0 =	simm.s32 @!p0 $0x7  }
0x1a3: {  	_ =	swait.ge @!p0 [sflag:s0], s1  }
0x1a4: {  	s1 =	ssub.s32 @!p0 $0x0, s1;
	[sflag:s0] =	ssyncset.done @!p0 $0x0  }
0x1a5: {  	[sflag:s0] =	ssyncadd.s32 @!p0 s1  }
0x1a6: {  	[bflag:$0x3] =	sbarrier.arrive $0xFFFF  }
0x1a7: {  	_ =	shalt  }

// kernel: kernel.8.cloned.1.call-start
scs
__scs_entry_jumppad:
0x0: {  	(pc) =	sbr.rel $0x88, $3  }
0x1: {  	(tag) =	ssettag $0x0;
	lr =	simm.s32 $0x1  }
0x2: {  	[smem:$0x3F9B] =	sst lr;
	_ =	strace $0xD0000000  }
0x3: {  	_ = 	snop  }
0x4: {  	_ = 	snop  }
0x5: {  	_ = 	snop  }
0x6: {  	_ = 	snop  }
0x7: {  	_ = 	snop  }
__scs_overlays_trampoline_lowered:
0x8: {  	[smem:$0x3FAA] =	sst s0  }
0x9: {  	[smem:$0x3FAB] =	sst s1  }
0xa: {  	[smem:$0x3FAC] =	sst s2  }
0xb: {  	[smem:$0x3FAD] =	sst s3  }
0xc: {  	[smem:$0x3FAE] =	sst s4  }
0xd: {  	[smem:$0x3FAF] =	sst s5  }
0xe: {  	[smem:$0x3FB0] =	sst s6  }
0xf: {  	[smem:$0x3FB1] =	sst s7  }
0x10: {  	[smem:$0x3FB2] =	sst s8  }
0x11: {  	[smem:$0x3FB3] =	sst s9;
	s0 =	simm.s32 @!p0 $0x0  }
0x12: {  	s1 =	sld [smem:$0x3F99];
	s0 =	simm.s32 @p0 $0x1  }
0x13: {  	[smem:$0x3FB4] =	sst s0;
	s0 =	simm.s32 @!p1 $0x0  }
0x14: {  	s2 =	sld [smem:$0x3F98];
	s0 =	simm.s32 @p1 $0x1  }
0x15: {  	[smem:$0x3FB5] =	sst s0;
	s0 =	simm.s32 @!p2 $0x0  }
0x16: {  	s3 =	sld [smem:$0x3FDB];
	s0 =	simm.s32 @p2 $0x1  }
0x17: {  	s4 =	simm.s32 $0x1BF5;
	[smem:$0x3FB7] =	sst s0  }
0x18: {  	s0 =	sld [smem:$0x3F9A];
	_ =	swait.ge [sflag:s4], $0x0  }
0x19: {  	s7 =	sld [smem:$0x3F9B]  }
0x1a: {  	s8 =	sadd.s32 $0xFFFFE003, lr  }
0x1b: {  	s9 =	sadd.s32 $0xFFFFFEF7, lr;
	s5 =	simm.s32 $0xFFFFFFFF;
	p2 =	slt.u32 s8, $0xFFFFF086  }
0x1c: {  	p1 =	slt.u32 s9, $0xF7A;
	s5 =	simm.s32 @!p2 $0x0  }
0x1d: {  	s5 =	simm.s32 @p1 $0x1;
	p0 =	seq.s32 s7, s2  }
0x1e: {  	s7 =	smul.u32 @!p0 $0xF7A, s2;
	p2 =	seq.s32 @!p0 s5, $0x0  }
0x1f: {  	s9 =	smul.u32 $0xF7A, s1;
	s8 =	simm.s32 @!p0 $0x1BF5;
	p2 =	por !p2, p0  }
0x20: {  	[sflag:s8] =	ssyncset.s32 @!p0 $0xFFFFF086;
	s6 =	sadd.s32 @!p0 s3, s7;
	s7 =	simm.s32 @!p0 $0x108  }
0x21: {  	s3 =	sadd.s32 s3, s9;
	s6 =	sadd.s32 @!p0 $0x88, s6;
	s7 =	simm.s32 @p2 $0x1082  }
0x22: {  	[simem:s7], [sflag:s8] =	dma.local @!p0 [hbm:s6], $0xF7A  }
0x23: {  	s9 =	sor.u32 $0xD0000000, s2;
	s6 =	simm.s32 $0x108;
	_ =	swait.ge @!p0 [sflag:s8], $0x0  }
0x24: {  	s3 =	sadd.s32 $0x88, s3;
	s6 =	simm.s32 @!p1 $0x1082;
	[sflag:s4] =	ssyncset.s32 $0xFFFFF086  }
0x25: {  	[simem:s6], [sflag:s4] =	dma.local [hbm:s3], $0xF7A  }
0x26: {  	[smem:$0x3F9B] =	sst s1;
	(tag) =	ssettag s2;
	_ =	strace s9  }
0x27: {  	s1 =	sld [smem:$0x3FAB]  }
0x28: {  	s2 =	sld [smem:$0x3FAC]  }
0x29: {  	s4 =	sld [smem:$0x3FAE]  }
0x2a: {  	p0 =	seq.s32 s5, $0x0;
	s5 =	sld [smem:$0x3FAF]  }
0x2b: {  	s6 =	sld [smem:$0x3FB0]  }
0x2c: {  	s7 =	sld [smem:$0x3FB1]  }
0x2d: {  	s3 =	simm.s32 $0x108;
	s8 =	sld [smem:$0x3FB2]  }
0x2e: {  	s3 =	simm.s32 @!p0 $0x1082;
	s9 =	sld [smem:$0x3FB3]  }
0x2f: {  	lr =	sadd.s32 s0, s3;
	s0 =	sld [smem:$0x3FAA]  }
0x30: {  	s3 =	sld [smem:$0x3FAD]  }
0x31: {  	[smem:$0x3FB6] =	sst s10  }
0x32: {  	s10 =	sld [smem:$0x3FB4];
	_ =	sdelay $0x3  }
0x33: {  	p0 =	seq.s32 s10, $0x1;
	s10 =	sld [smem:$0x3FB6];
	_ =	sdelay $0x3  }
0x34: {  	[smem:$0x3FB6] =	sst s10  }
0x35: {  	s10 =	sld [smem:$0x3FB5];
	_ =	sdelay $0x3  }
0x36: {  	p1 =	seq.s32 s10, $0x1;
	s10 =	sld [smem:$0x3FB6];
	_ =	sdelay $0x3  }
0x37: {  	[smem:$0x3FB6] =	sst s10  }
0x38: {  	s10 =	sld [smem:$0x3FB7]  }
0x39: {  	_ = 	snop;
	(pc) =	sbr.ind lr, $3  }
0x3a: {  	_ = 	snop  }
0x3b: {  	_ = 	snop  }
0x3c: {  	p2 =	seq.s32 s10, $0x1;
	s10 =	sld [smem:$0x3FB6]  }
0x3d: {  	_ =	shalt  }
0x3e: {  	_ =	shalt  }
0x3f: {  	_ =	shalt  }
0x40: {  	_ =	shalt  }
0x41: {  	_ =	shalt  }
0x42: {  	_ =	shalt  }
0x43: {  	_ =	shalt  }
0x44: {  	_ =	shalt  }
0x45: {  	_ =	shalt  }
0x46: {  	_ =	shalt  }
0x47: {  	_ =	shalt  }
0x48: {  	_ =	shalt  }
0x49: {  	_ =	shalt  }
0x4a: {  	_ =	shalt  }
0x4b: {  	_ =	shalt  }
0x4c: {  	_ =	shalt  }
0x4d: {  	_ =	shalt  }
0x4e: {  	_ =	shalt  }
0x4f: {  	_ =	shalt  }
0x50: {  	_ =	shalt  }
0x51: {  	_ =	shalt  }
0x52: {  	_ =	shalt  }
0x53: {  	_ =	shalt  }
0x54: {  	_ =	shalt  }
0x55: {  	_ =	shalt  }
0x56: {  	_ =	shalt  }
0x57: {  	_ =	shalt  }
0x58: {  	_ =	shalt  }
0x59: {  	_ =	shalt  }
0x5a: {  	_ =	shalt  }
0x5b: {  	_ =	shalt  }
0x5c: {  	_ =	shalt  }
0x5d: {  	_ =	shalt  }
0x5e: {  	_ =	shalt  }
0x5f: {  	_ =	shalt  }
0x60: {  	_ =	shalt  }
0x61: {  	_ =	shalt  }
0x62: {  	_ =	shalt  }
0x63: {  	_ =	shalt  }
0x64: {  	_ =	shalt  }
0x65: {  	_ =	shalt  }
0x66: {  	_ =	shalt  }
0x67: {  	_ =	shalt  }
0x68: {  	_ =	shalt  }
0x69: {  	_ =	shalt  }
0x6a: {  	_ =	shalt  }
0x6b: {  	_ =	shalt  }
0x6c: {  	_ =	shalt  }
0x6d: {  	_ =	shalt  }
0x6e: {  	_ =	shalt  }
0x6f: {  	_ =	shalt  }
0x70: {  	_ =	shalt  }
0x71: {  	_ =	shalt  }
0x72: {  	_ =	shalt  }
0x73: {  	_ =	shalt  }
0x74: {  	_ =	shalt  }
0x75: {  	_ =	shalt  }
0x76: {  	_ =	shalt  }
0x77: {  	_ =	shalt  }
0x78: {  	_ =	shalt  }
0x79: {  	_ =	shalt  }
0x7a: {  	_ =	shalt  }
0x7b: {  	_ =	shalt  }
0x7c: {  	_ =	shalt  }
0x7d: {  	_ =	shalt  }
0x7e: {  	_ =	shalt  }
0x7f: {  	_ =	shalt  }
0x80: {  	_ =	shalt  }
0x81: {  	_ =	shalt  }
0x82: {  	_ =	shalt  }
0x83: {  	_ =	shalt  }
0x84: {  	_ =	shalt  }
0x85: {  	_ =	shalt  }
0x86: {  	_ =	shalt  }
0x87: {  	_ =	shalt  }
.Lfunc_end0:
.L_simem_size_0:
called_computation.1_lowered:
.L_overlay_start_0:
0x88: {  	s2 =	sld [smem:$0x3FD9]  }
0x89: {  	s3 =	sld [smem:$0x3FFE];
	_ =	sdelay $0x1  }
0x8a: {  	s1 =	srdreg.scid  }
0x8b: {  	s0 =	sand.u32 $0x1, s1  }
0x8c: {  	s14 =	sshll.u32 s0, $0xA;
	s2 =	sadd.s32 s3, s2  }
0x8d: {  	s2 =	sadd.s32 s2, s14  }
0x8e: {  	[smem:$0x3FC2] =	sst s2  }
0x8f: {  	_ = 	snop  }
0x90: {  	s2 =	sld [smem:$0x3FD0];
	_ =	sdelay $0x2  }
0x91: {  	s15 =	simm.s32 $0xA;
	s4 =	simm.s32 $0x10  }
0x92: {  	[smem:s4], [sflag:s15] =	dma.local [hbm:s2], $0x1  }
0x93: {  	_ =	swait.eq [sflag:s15], $0x1  }
0x94: {  	[sflag:s15] =	ssyncset.done $0x0  }
0x95: {  	s16 =	sld [smem:$0x10];
	[sflag:s15] =	ssyncadd.s32 $0xFFFFFFFF  }
0x96: {  	s17 =	sld [smem:$0x11];
	(tm) =	ssettm $0x1  }
0x97: {  	s18 =	sld [smem:$0x3FFB];
	_ =	sdelay $0x3  }
0x98: {  	_ =	strace s18  }
0x99: {  	s4 =	sld [smem:$0x3FFC];
	_ =	sdelay $0x3  }
0x9a: {  	_ =	strace s4  }
0x9b: {  	s4 =	sld [smem:$0x3FFD];
	_ =	sdelay $0x3  }
0x9c: {  	_ =	strace s4  }
0x9d: {  	_ =	strace $0x8FFFFFFF  }
0x9e: {  	s19 =	sld [smem:$0x3FDB];
	_ =	sdelay $0x1  }
0x9f: {  	s5 =	simm.s32 $_scs_section_size  }
0xa0: {  	s6 =	simm.s32 $_size__tile_overlayer_lowered;
	s7 =	simm.s32 $_tile_overlayer_lowered  }
0xa1: {  	s22 =	simm.s32 $0x1BFF;
	s21 =	sshll.u32 s7, $0x1;
	s4 =	sadd.s32 s5, s19  }
0xa2: {  	s8 =	simm.s32 $0x0;
	s20 =	sshll.u32 s6, $0x1;
	s6 =	sadd.s32 s21, s4  }
0xa3: {  	[timem:s8], [sflag:s22] =	dma.local [hbm:s6], s20  }
0xa4: {  	_ =	swait.ge [sflag:s22], s20  }
0xa5: {  	s5 =	ssub.s32 $0x0, s20;
	[sflag:s22] =	ssyncset.done $0x0  }
0xa6: {  	[sflag:s22] =	ssyncadd.s32 s5;
	_ =	sdelay $0x1  }
0xa7: {  	s23 =	simm.s32 $0x1B8B  }
0xa8: {  	_ =	swait.ge [sflag:s23], $0x1  }
0xa9: {  	[sflag:s23] =	ssyncset.done $0x0  }
0xaa: {  	s25 =	simm.s32 $0x1B8E;
	s24 =	sld [smem:$0x3FFE];
	[sflag:s23] =	ssyncadd.s32 $0xFFFFFFFF  }
0xab: {  	s26 =	simm.s32 $execute0_lowered;
	[smem:$0x3FD2] =	sst s25  }
0xac: {  	s6 =	sshll.u32 s26, $0x1;
	_ =	strace $0x80000049;
	[dreg:$0x1] =	wrdreg $0xFFFFFFFF  }
0xad: {  	s28 =	simm.s32 $_size_execute0_lowered;
	s4 =	sadd.s32 s4, s6;
	[dreg:$0x0] =	wrdreg $0x0  }
0xae: {  	s6 =	sshll.u32 s28, $0x1;
	[dreg:$0x2] =	wrdreg s4  }
0xaf: {  	[dreg:$0x3] =	wrdreg s6  }
0xb0: {  	[dreg:$0x4] =	wrdreg $0xC0  }
0xb1: {  	_ =	task [dreg:s8], $0x5FFFF  }
0xb2: {  	[dreg:$0x1] =	wrdreg $0xFFFFFFFF  }
0xb3: {  	[dreg:$0x0] =	wrdreg $0x60  }
0xb4: {  	[dreg:$0x2] =	wrdreg s24  }
0xb5: {  	[dreg:$0x3] =	wrdreg s16  }
0xb6: {  	[dreg:$0x4] =	wrdreg s17  }
0xb7: {  	[dreg:$0x5] =	wrdreg $0x9  }
0xb8: {  	_ =	task.clear_ibuf [dreg:s8], $0x6FFFF;
	_ =	strace $0x90000049  }
0xb9: {  	s29 =	simm.s32 $0x9;
	_ =	strace $0x8000004B  }
0xba: {  	_ =	swait.ge [sflag:s29], $0x1  }
0xbb: {  	[sflag:s29] =	ssyncadd.s32 $0xFFFFFFFF  }
0xbc: {  	_ =	strace $0x9000004B  }
0xbd: {  	_ =	sfence  }
0xbe: {  	s30 =	sld [smem:$0x0];
	_ =	sdelay $0x2  }
0xbf: {  	s31 =	sshll.u32 s1, $0xD;
	s1 =	sshrl.u32 s1, $0x2  }
0xc0: {  	s3 =	sand.u32 $0x4000, s31;
	s1 =	sadd.s32 s1, s30  }
0xc1: {  	s0 =	sor.u32 s3, s0;
	s1 =	sshll.u32 s1, $0x11  }
0xc2: {  	s0 =	sor.u32 s1, s0  }
0xc3: {  	s0 =	sadd.s32 $0x8F2B, s0  }
0xc4: {  	[sflag:s0] =	ssyncadd.remote.s32 $0x1  }
0xc5: {  	_ =	sfence.sel $0xFFFF  }
0xc6: {  	[dreg:$0x0] =	wrdreg $0xFFFFFFFF;
	(pc) =	sbr.abs _section_cstart, $3  }
0xc7: {  	[dreg:$0x1] =	wrdreg $0xFFFFFFFF  }
0xc8: {  	_ =	task.clear_ibuf [dreg:s8], $0x2FFFF;
	_ =	strace $0x9FFFFFFF  }
0xc9: {  	(tm) =	ssettm $0x7FFFFFFF  }
tec
execute0_lowered:
.L_overlay_start_1:
0x0: {  	(tag) =	ssettag $0x1  }
0x1: {  	s6 =	rddreg [dreg:$0x0]  }
0x2: {  	s4 =	rddreg [dreg:$0x1]  }
0x3: {  	s8 =	rddreg [dreg:$0x2]  }
0x4: {  	s1 =	srdreg.scid;
	s0 =	rddreg [dreg:$0x3];
	s2 =	simm.s32 $0x0  }
0x5: {  	s7 =	sand.u32 $0x1, s1;
	[smem:$0x7FF] =	sst s2  }
0x6: {  	s1 =	stileid.u32;
	s3 =	sshll.u32 s7, $0x4;
	_ =	strace $0x8000004A  }
0x7: {  	s10 =	ssub.s32 $0x2, s7;
	p0 =	seq.s32 s7, $0x0;
	s11 =	sshll.u32 s1, $0xB  }
0x8: {  	s5 =	sor.u32 s1, s3;
	s3 =	sadd.s32 $0x1A00, s6;
	s30 =	sshrl.u32 s10, $0x1  }
0x9: {  	s8 =	sadd.s32 s8, s11;
	s9 =	sshll.u32 s5, $0xE;
	s5 =	sshll.u32 s5, $0x3  }
0xa: {  	s9 =	sadd.s32 $0xFFFC0000, s9;
	s5 =	sadd.s32 s4, s5;
	s4 =	simm.s32 $0x1  }
0xb: {  	[tilespmem:s2], [sflag:$0x1] =	stream.linear.gather [hbm4b:s5+s2], $0x40, $0x38;
	[tilespmem:$0x4040] =	vst v63  }
0xc: {  	s10 =	ssub.s32 s10, s30;
	s9 =	sshrl.u32 s9, $0x3;
	_ =	swait.ge [sflag:s4], $0x40  }
0xd: {  	s31 =	smax.u32 s10, $0x1;
	s9 =	sadd.s32 s9, s6;
	[sflag:s4] =	ssyncset.done $0x0  }
0xe: {  	s6 =	simm.s32 $0x40;
	s7 =	sadd.s32 $0x11A00, s9;
	[sflag:s4] =	ssyncadd.s32 $0xFFFFFFC0  }
0xf: {  	[tilespmem:s6], [sflag:$0x1] =	stream.indirect.gather [hbm4b:s3+s6], $0x100, s2, s6, $0xb8;
	[tilespmem:$0x4040] =	vst v63  }
0x10: {  	s7 =	smov.u32 @p0 s8;
	p0 =	sne.s32 s31, $0x1;
	_ =	swait.ge [sflag:s4], $0x4000  }
.Ltmp0:
0x11: {  	[sflag:s4] =	ssyncset.done $0x0;
	(pc) =	sbr.rel @!p0 .LBB2_2-.Ltmp0, $4  }
0x12: {  	[sflag:s4] =	ssyncadd.s32 $0xFFFFC000  }
0x13: {  	[hbm4b:s7+s2] =	stream.linear.scatter [tilespmem:s6], [sflag:$0x1], $0x4000, $0x38;
	[tilespmem:$0x4040] =	vst v63  }
0x14: {  	_ =	swait.ge [sflag:s4], $0x4000  }
0x15: {  	s8 =	sadd.s32 $0xFFFFFFFF, s31;
	[sflag:s4] =	ssyncset.done $0x0  }
.LBB2_1:
0x16: {  	p0 =	sne.s32 s8, $0x1;
	s8 =	sadd.s32 $0xFFFFFFFF, s8;
	[sflag:s4] =	ssyncadd.s32 $0xFFFFC000  }
0x17: {  	[tilespmem:s2], [sflag:$0x1] =	stream.linear.gather [hbm4b:s5+s2], $0x40, $0x38;
	[tilespmem:$0x4040] =	vst v63  }
0x18: {  	_ =	swait.ge [sflag:s4], $0x40  }
0x19: {  	[sflag:s4] =	ssyncset.done $0x0  }
0x1a: {  	[sflag:s4] =	ssyncadd.s32 $0xFFFFFFC0  }
0x1b: {  	[tilespmem:s6], [sflag:$0x1] =	stream.indirect.gather [hbm4b:s3+s6], $0x100, s2, s6, $0xb8;
	[tilespmem:$0x4040] =	vst v63  }
0x1c: {  	_ =	swait.ge [sflag:s4], $0x4000  }
.Ltmp1:
0x1d: {  	[sflag:s4] =	ssyncset.done $0x0;
	(pc) =	sbr.rel @p0 .LBB2_1-.Ltmp1, $4  }
0x1e: {  	[sflag:s4] =	ssyncadd.s32 $0xFFFFC000  }
0x1f: {  	[hbm4b:s7+s2] =	stream.linear.scatter [tilespmem:s6], [sflag:$0x1], $0x4000, $0x38;
	[tilespmem:$0x4040] =	vst v63  }
0x20: {  	_ =	swait.ge [sflag:s4], $0x4000  }
0x21: {  	[sflag:s4] =	ssyncset.done $0x0  }
.LBB2_2:
0x22: {  	[sflag:s4] =	ssyncadd.s32 $0xFFFFC000  }
0x23: {  	_ =	sfence.sel $0x180000  }
0x24: {  	[bflag:$0x0] =	sbarrier.arrive $0xFFFF  }
0x25: {  	p0 =	sne.s32 s1, $0x0;
	_ =	strace $0x9000004A  }
0x26: {  	s0 =	sadd.s32 @!p0 $0x100000, s0;
	[bflag:$0x2] =	sbarrier.arrive $0xFFFF  }
0x27: {  	[sflag:s0] =	ssyncadd.tile.s32 @!p0 $0x1;
	_ =	shalt  }
.Lfunc_end2:
_tile_overlayer_lowered:
.L_overlay_start_2:
0x28: {  	(tag) =	ssettag $0x2  }
0x29: {  	s0 =	rddreg [dreg:$0x0];
	s2 =	stileid.u32  }
0x2a: {  	s1 =	rddreg [dreg:$0x1];
	p0 =	sne.s32 s2, $0x0  }
0x2b: {  	s3 =	rddreg [dreg:$0x2];
	[bflag:$0x3] =	sbarrier.arrive $0xFFFF;
	s2 =	simm.s32 @!p0 $0x1C01  }
0x2c: {  	[timem:s3], [sflag:s2] =	dma.local @!p0 [hbm:s0], s1  }
0x2d: {  	s0 =	simm.s32 @!p0 $0x1  }
0x2e: {  	_ =	swait.ge @!p0 [sflag:s0], s1  }
0x2f: {  	s1 =	ssub.s32 @!p0 $0x0, s1;
	[sflag:s0] =	ssyncset.done @!p0 $0x0  }
0x30: {  	[sflag:s0] =	ssyncadd.s32 @!p0 s1  }
0x31: {  	[bflag:$0x3] =	sbarrier.arrive $0xFFFF  }
0x32: {  	_ =	shalt  }

</sc_bundles>
